<compile_context>
chip_gen: v7x
topology: tpu7x:2x2x1
jax: 0.10.2.dev20260603
libtpu: 0.0.44.dev20260713+nightly
codegen_flags: <defaults>
</compile_context>

<pallas_src>
import jax
import jax.numpy as jnp
from jax import lax
from jax.experimental import pallas as pl
from jax.experimental.pallas import tpu as pltpu
from jax.experimental.pallas import tpu_sc as plsc

B, S, D = 4096, 50, 64
NC, NS, L = 1, 16, 16
NW = NC * NS
R = B // NW
G = R // L
C = D // L


def _body(in_hbm, par_hbm, out_hbm, in_v, p_v, p0_v, out_v, p0_sh,
          sem_in, sem_p):
    wid = lax.axis_index("s") * NC + lax.axis_index("c")
    base = wid * R
    cp_in = pltpu.async_copy(in_hbm.at[:, pl.ds(base, R)], in_v, sem_in)

    iota = lax.iota(jnp.int32, L)
    zero = jnp.zeros((L,), jnp.int32)

    @pl.when(wid == 0)
    def _():
        cp_p = pltpu.async_copy(par_hbm.at[:, pl.ds(0, 128)], p_v, sem_p)
        cp_p.wait()
        for c in range(C):
            p0_v[pl.ds(c * L, L)] = plsc.load_gather(p_v, [iota + c * L, zero])
        pltpu.sync_copy(p0_v, p0_sh)

    cp_in.wait()

    def col(l, accs):
        return tuple(a + in_v[l, pl.ds(g * L, L)] for g, a in enumerate(accs))

    accs = lax.fori_loop(0, S, col,
                         tuple(jnp.zeros((L,), jnp.float32) for _ in range(G)),
                         unroll=5)

    plsc.subcore_barrier()
    pltpu.sync_copy(p0_sh, p0_v)

    def emit(d, _):
        pd = plsc.load_gather(p0_v, [jnp.full((L,), 0, jnp.int32) + d])
        for g in range(G):
            out_v[d, pl.ds(g * L, L)] = pd * accs[g]
        return _

    lax.fori_loop(0, D, emit, 0, unroll=4)
    pltpu.sync_copy(out_v, out_hbm.at[:, pl.ds(base, R)])


@jax.jit
def kernel(inputs, params):
    mesh = plsc.VectorSubcoreMesh(
        core_axis_name="c", subcore_axis_name="s",
        num_cores=NC, num_subcores=NS,
    )
    out_t = pl.kernel(
        _body,
        out_type=jax.ShapeDtypeStruct((D, B), jnp.float32),
        mesh=mesh,
        compiler_params=pltpu.CompilerParams(
            needs_layout_passes=False, use_tc_tiling_on_sc=True),
        scratch_types=[
            pltpu.VMEM((S, R), jnp.float32),
            pltpu.VMEM((D, 128), jnp.float32),
            pltpu.VMEM((D,), jnp.float32),
            pltpu.VMEM((D, R), jnp.float32),
            pltpu.VMEM_SHARED((D,), jnp.float32),
            pltpu.SemaphoreType.DMA,
            pltpu.SemaphoreType.DMA,
        ],
    )(inputs.T, params.T)
    return out_t.T[:, None, :]

# --- scband reference (transcript-rebuilt; emitter-appended) ---
"""Pipeline reference for scband-std-continuous-34565896798466 (READ-ONLY COPY).

The authoritative reference and input builder live on the scoring server;
editing this copy changes nothing except your own understanding.
"""

import jax, jax.numpy as jnp
import numpy as np


def setup_inputs(seed: int = 0) -> dict:
    key = jax.random.key(seed)
    k1, k2 = jax.random.split(key)
    inputs = jax.random.normal(k1, (4096, 50), dtype=jnp.float32)
    # 'params' is the embedding table passed to __init__; materialized here.
    params = jax.random.normal(k2, (1000, 64), dtype=jnp.float32) * 0.05
    return {"inputs": inputs, "params": params}


def reference(inputs, params):
    # StdContinuous.call: ids = zeros_like(inputs, int32); values = inputs
    ids = jnp.zeros(inputs.shape, dtype=jnp.int32)
    # WeightedLookup -> get_emb_and_reduce: gather embeddings for ids,
    # weight by values, reduce ('sum') over the sequence/slot axis.
    emb = jnp.take(params, ids, axis=0)          # [B, L, D]
    weighted = emb * inputs[..., None]           # [B, L, D]
    result = jnp.sum(weighted, axis=1)           # [B, D] (reducetype='sum')
    # len(result.shape) == 2 -> expand_dims at axis=-2
    return result[:, None, :]                    # [B, 1, D]

if __name__ == "__main__":
    import jax
    _d = setup_inputs()
    print(jax.jit(kernel)(*tuple(_d.values())))

</pallas_src>

<mosaic_0001>
#map = affine_map<(d0, d1) -> (0, 0)>
module attributes {stable_mosaic.version = 14 : i64} {
  func.func @_body(%arg0: i32, %arg1: i32, %arg2: memref<50x4096xf32, #tpu.memory_space<hbm>>, %arg3: memref<64x1000xf32, #tpu.memory_space<hbm>>, %arg4: memref<64x4096xf32, #tpu.memory_space<hbm>>, %arg5: memref<50x256xf32, #tpu.memory_space<vmem>>, %arg6: memref<64x128xf32, #tpu.memory_space<vmem>>, %arg7: memref<64xf32, #tpu.memory_space<vmem>>, %arg8: memref<64x256xf32, #tpu.memory_space<vmem>>, %arg9: memref<64xf32, #tpu.memory_space<vmem_shared>>, %arg10: memref<!tpu.dma_semaphore, #tpu.memory_space<semaphore_mem>>, %arg11: memref<!tpu.dma_semaphore, #tpu.memory_space<semaphore_mem>>) attributes {dimension_semantics = [#tpu.dimension_semantics<core_parallel>, #tpu.dimension_semantics<subcore_parallel>], iteration_bounds = array<i64: 1, 16>, scalar_prefetch = 0 : i64, scratch_operands = 7 : i64, tpu.core_type = #tpu.core_type<sc_vector_subcore>, window_params = [{transform_indices = #map}, {transform_indices = #map}, {transform_indices = #map}]} {
    %mul3A = arith.constant 1 : i32
    %mul3A_0 = arith.muli %arg1, %mul3A : i32
    %add3A = arith.addi %mul3A_0, %arg0 : i32
    %mul3A_1 = arith.constant 256 : i32
    %mul3A_2 = arith.muli %add3A, %mul3A_1 : i32
    %dma_start3A = arith.constant 0 : i32
    %dma_start3A_3 = tpu.memref_slice %arg2[%dma_start3A, %mul3A_2] : memref<50x4096xf32, #tpu.memory_space<hbm>> -> memref<50x256xf32, #tpu.memory_space<hbm>>
    %dma_start3A_4 = arith.constant 0 : i32
    %dma_start3A_5 = tpu.memref_slice %arg2[%dma_start3A_4, %mul3A_2] : memref<50x4096xf32, #tpu.memory_space<hbm>> -> memref<50x256xf32, #tpu.memory_space<hbm>>
    tpu.enqueue_dma source(%dma_start3A_5 : memref<50x256xf32, #tpu.memory_space<hbm>>) target(%arg5 : memref<50x256xf32, #tpu.memory_space<vmem>>) target_semaphore(%arg10 : memref<!tpu.dma_semaphore, #tpu.memory_space<semaphore_mem>>)
    %iota3A = tpu.iota {dimensions = array<i32: 0>} : vector<16xi32>
    %broadcast_in_dim3A = arith.constant 0 : i32
    %broadcast_in_dim3A_6 = vector.broadcast %broadcast_in_dim3A : i32 to vector<16xi32>
    %eq3A = arith.constant 0 : i32
    %eq3A_7 = arith.cmpi eq, %add3A, %eq3A : i32
    %convert_element_type3A = arith.extui %eq3A_7 : i1 to i32
    %cond3A = arith.constant 0 : i32
    %cond3A_8 = arith.cmpi ne, %convert_element_type3A, %cond3A : i32
    scf.if %cond3A_8 {
      %dma_start3A_55 = arith.constant 0 : i32
      %dma_start3A_56 = arith.constant 0 : i32
      %dma_start3A_57 = tpu.memref_slice %arg3[%dma_start3A_55, %dma_start3A_56] : memref<64x1000xf32, #tpu.memory_space<hbm>> -> memref<64x128xf32, #tpu.memory_space<hbm>>
      %dma_start3A_58 = arith.constant 0 : i32
      %dma_start3A_59 = arith.constant 0 : i32
      %dma_start3A_60 = tpu.memref_slice %arg3[%dma_start3A_58, %dma_start3A_59] : memref<64x1000xf32, #tpu.memory_space<hbm>> -> memref<64x128xf32, #tpu.memory_space<hbm>>
      tpu.enqueue_dma source(%dma_start3A_60 : memref<64x128xf32, #tpu.memory_space<hbm>>) target(%arg6 : memref<64x128xf32, #tpu.memory_space<vmem>>) target_semaphore(%arg11 : memref<!tpu.dma_semaphore, #tpu.memory_space<semaphore_mem>>)
      %dma_wait3A_61 = arith.constant 0 : i32
      %dma_wait3A_62 = arith.constant 0 : i32
      %dma_wait3A_63 = tpu.memref_slice %arg3[%dma_wait3A_61, %dma_wait3A_62] : memref<64x1000xf32, #tpu.memory_space<hbm>> -> memref<64x128xf32, #tpu.memory_space<hbm>>
      %dma_wait3A_64 = arith.constant 0 : i32
      %dma_wait3A_65 = arith.constant 0 : i32
      %dma_wait3A_66 = tpu.memref_slice %arg3[%dma_wait3A_64, %dma_wait3A_65] : memref<64x1000xf32, #tpu.memory_space<hbm>> -> memref<64x128xf32, #tpu.memory_space<hbm>>
      tpu.wait_dma2 semaphore(%arg11 : memref<!tpu.dma_semaphore, #tpu.memory_space<semaphore_mem>>) src(%dma_wait3A_66 : memref<64x128xf32, #tpu.memory_space<hbm>>) dst(%arg6 : memref<64x128xf32, #tpu.memory_space<vmem>>)
      %add3A_67 = arith.constant 0 : i32
      %add3A_68 = vector.broadcast %add3A_67 : i32 to vector<16xi32>
      %add3A_69 = arith.addi %iota3A, %add3A_68 : vector<16xi32>
      %gather3A = tpu.vector_load_idx %arg6[%add3A_69, %broadcast_in_dim3A_6] : memref<64x128xf32, #tpu.memory_space<vmem>>[vector<16xi32>, vector<16xi32>], vector<16xf32>,
      %swap3A = arith.constant 0 : index
      %swap3A_70 = tpu.vector_load %arg7[%swap3A] {strides = array<i32>} : memref<64xf32, #tpu.memory_space<vmem>>, vector<16xf32>,
      tpu.vector_store %arg7[%swap3A], %gather3A {strides = array<i32>} : memref<64xf32, #tpu.memory_space<vmem>>, vector<16xf32>,
      %add3A_71 = arith.constant 16 : i32
      %add3A_72 = vector.broadcast %add3A_71 : i32 to vector<16xi32>
      %add3A_73 = arith.addi %iota3A, %add3A_72 : vector<16xi32>
      %gather3A_74 = tpu.vector_load_idx %arg6[%add3A_73, %broadcast_in_dim3A_6] : memref<64x128xf32, #tpu.memory_space<vmem>>[vector<16xi32>, vector<16xi32>], vector<16xf32>,
      %swap3A_75 = arith.constant 16 : index
      %swap3A_76 = tpu.vector_load %arg7[%swap3A_75] {strides = array<i32>} : memref<64xf32, #tpu.memory_space<vmem>>, vector<16xf32>,
      tpu.vector_store %arg7[%swap3A_75], %gather3A_74 {strides = array<i32>} : memref<64xf32, #tpu.memory_space<vmem>>, vector<16xf32>,
      %add3A_77 = arith.constant 32 : i32
      %add3A_78 = vector.broadcast %add3A_77 : i32 to vector<16xi32>
      %add3A_79 = arith.addi %iota3A, %add3A_78 : vector<16xi32>
      %gather3A_80 = tpu.vector_load_idx %arg6[%add3A_79, %broadcast_in_dim3A_6] : memref<64x128xf32, #tpu.memory_space<vmem>>[vector<16xi32>, vector<16xi32>], vector<16xf32>,
      %swap3A_81 = arith.constant 32 : index
      %swap3A_82 = tpu.vector_load %arg7[%swap3A_81] {strides = array<i32>} : memref<64xf32, #tpu.memory_space<vmem>>, vector<16xf32>,
      tpu.vector_store %arg7[%swap3A_81], %gather3A_80 {strides = array<i32>} : memref<64xf32, #tpu.memory_space<vmem>>, vector<16xf32>,
      %add3A_83 = arith.constant 48 : i32
      %add3A_84 = vector.broadcast %add3A_83 : i32 to vector<16xi32>
      %add3A_85 = arith.addi %iota3A, %add3A_84 : vector<16xi32>
      %gather3A_86 = tpu.vector_load_idx %arg6[%add3A_85, %broadcast_in_dim3A_6] : memref<64x128xf32, #tpu.memory_space<vmem>>[vector<16xi32>, vector<16xi32>], vector<16xf32>,
      %swap3A_87 = arith.constant 48 : index
      %swap3A_88 = tpu.vector_load %arg7[%swap3A_87] {strides = array<i32>} : memref<64xf32, #tpu.memory_space<vmem>>, vector<16xf32>,
      tpu.vector_store %arg7[%swap3A_87], %gather3A_86 {strides = array<i32>} : memref<64xf32, #tpu.memory_space<vmem>>, vector<16xf32>,
      "tpu.region"() ({
        %run_scoped3A = tpu.sem_alloc : memref<!tpu.dma_semaphore, #tpu.memory_space<semaphore_mem>>
        tpu.enqueue_dma source(%arg7 : memref<64xf32, #tpu.memory_space<vmem>>) target(%arg9 : memref<64xf32, #tpu.memory_space<vmem_shared>>) target_semaphore(%run_scoped3A : memref<!tpu.dma_semaphore, #tpu.memory_space<semaphore_mem>>)
        tpu.wait_dma2 semaphore(%run_scoped3A : memref<!tpu.dma_semaphore, #tpu.memory_space<semaphore_mem>>) src(%arg7 : memref<64xf32, #tpu.memory_space<vmem>>) dst(%arg9 : memref<64xf32, #tpu.memory_space<vmem_shared>>)
        tpu.yield
      }) : () -> ()
    } else {
    }
    %dma_wait3A = arith.constant 0 : i32
    %dma_wait3A_9 = tpu.memref_slice %arg2[%dma_wait3A, %mul3A_2] : memref<50x4096xf32, #tpu.memory_space<hbm>> -> memref<50x256xf32, #tpu.memory_space<hbm>>
    %dma_wait3A_10 = arith.constant 0 : i32
    %dma_wait3A_11 = tpu.memref_slice %arg2[%dma_wait3A_10, %mul3A_2] : memref<50x4096xf32, #tpu.memory_space<hbm>> -> memref<50x256xf32, #tpu.memory_space<hbm>>
    tpu.wait_dma2 semaphore(%arg10 : memref<!tpu.dma_semaphore, #tpu.memory_space<semaphore_mem>>) src(%dma_wait3A_11 : memref<50x256xf32, #tpu.memory_space<hbm>>) dst(%arg5 : memref<50x256xf32, #tpu.memory_space<vmem>>)
    %broadcast_in_dim3A_12 = arith.constant 0.000000e+00 : f32
    %broadcast_in_dim3A_13 = vector.broadcast %broadcast_in_dim3A_12 : f32 to vector<16xf32>
    %broadcast_in_dim3A_14 = arith.constant 0.000000e+00 : f32
    %broadcast_in_dim3A_15 = vector.broadcast %broadcast_in_dim3A_14 : f32 to vector<16xf32>
    %broadcast_in_dim3A_16 = arith.constant 0.000000e+00 : f32
    %broadcast_in_dim3A_17 = vector.broadcast %broadcast_in_dim3A_16 : f32 to vector<16xf32>
    %broadcast_in_dim3A_18 = arith.constant 0.000000e+00 : f32
    %broadcast_in_dim3A_19 = vector.broadcast %broadcast_in_dim3A_18 : f32 to vector<16xf32>
    %broadcast_in_dim3A_20 = arith.constant 0.000000e+00 : f32
    %broadcast_in_dim3A_21 = vector.broadcast %broadcast_in_dim3A_20 : f32 to vector<16xf32>
    %broadcast_in_dim3A_22 = arith.constant 0.000000e+00 : f32
    %broadcast_in_dim3A_23 = vector.broadcast %broadcast_in_dim3A_22 : f32 to vector<16xf32>
    %broadcast_in_dim3A_24 = arith.constant 0.000000e+00 : f32
    %broadcast_in_dim3A_25 = vector.broadcast %broadcast_in_dim3A_24 : f32 to vector<16xf32>
    %broadcast_in_dim3A_26 = arith.constant 0.000000e+00 : f32
    %broadcast_in_dim3A_27 = vector.broadcast %broadcast_in_dim3A_26 : f32 to vector<16xf32>
    %broadcast_in_dim3A_28 = arith.constant 0.000000e+00 : f32
    %broadcast_in_dim3A_29 = vector.broadcast %broadcast_in_dim3A_28 : f32 to vector<16xf32>
    %broadcast_in_dim3A_30 = arith.constant 0.000000e+00 : f32
    %broadcast_in_dim3A_31 = vector.broadcast %broadcast_in_dim3A_30 : f32 to vector<16xf32>
    %broadcast_in_dim3A_32 = arith.constant 0.000000e+00 : f32
    %broadcast_in_dim3A_33 = vector.broadcast %broadcast_in_dim3A_32 : f32 to vector<16xf32>
    %broadcast_in_dim3A_34 = arith.constant 0.000000e+00 : f32
    %broadcast_in_dim3A_35 = vector.broadcast %broadcast_in_dim3A_34 : f32 to vector<16xf32>
    %broadcast_in_dim3A_36 = arith.constant 0.000000e+00 : f32
    %broadcast_in_dim3A_37 = vector.broadcast %broadcast_in_dim3A_36 : f32 to vector<16xf32>
    %broadcast_in_dim3A_38 = arith.constant 0.000000e+00 : f32
    %broadcast_in_dim3A_39 = vector.broadcast %broadcast_in_dim3A_38 : f32 to vector<16xf32>
    %broadcast_in_dim3A_40 = arith.constant 0.000000e+00 : f32
    %broadcast_in_dim3A_41 = vector.broadcast %broadcast_in_dim3A_40 : f32 to vector<16xf32>
    %broadcast_in_dim3A_42 = arith.constant 0.000000e+00 : f32
    %broadcast_in_dim3A_43 = vector.broadcast %broadcast_in_dim3A_42 : f32 to vector<16xf32>
    %scan3A = arith.constant 0 : i32
    %scan3A_44 = arith.constant 50 : i32
    %scan3A_45 = arith.addi %scan3A, %scan3A_44 : i32
    %scan3A_46 = arith.constant 5 : i32
    %scan3A_47:16 = scf.for %scan3A_55 = %scan3A to %scan3A_45 step %scan3A_46 iter_args(%scan3A_56 = %broadcast_in_dim3A_13, %scan3A_57 = %broadcast_in_dim3A_15, %scan3A_58 = %broadcast_in_dim3A_17, %scan3A_59 = %broadcast_in_dim3A_19, %scan3A_60 = %broadcast_in_dim3A_21, %scan3A_61 = %broadcast_in_dim3A_23, %scan3A_62 = %broadcast_in_dim3A_25, %scan3A_63 = %broadcast_in_dim3A_27, %scan3A_64 = %broadcast_in_dim3A_29, %scan3A_65 = %broadcast_in_dim3A_31, %scan3A_66 = %broadcast_in_dim3A_33, %scan3A_67 = %broadcast_in_dim3A_35, %scan3A_68 = %broadcast_in_dim3A_37, %scan3A_69 = %broadcast_in_dim3A_39, %scan3A_70 = %broadcast_in_dim3A_41, %scan3A_71 = %broadcast_in_dim3A_43) -> (vector<16xf32>, vector<16xf32>, vector<16xf32>, vector<16xf32>, vector<16xf32>, vector<16xf32>, vector<16xf32>, vector<16xf32>, vector<16xf32>, vector<16xf32>, vector<16xf32>, vector<16xf32>, vector<16xf32>, vector<16xf32>, vector<16xf32>, vector<16xf32>)  : i32 {
      %get3A = arith.index_cast %scan3A_55 : i32 to index
      %get3A_72 = arith.constant 0 : index
      %get3A_73 = tpu.vector_load %arg5[%get3A, %get3A_72] {strides = array<i32>} : memref<50x256xf32, #tpu.memory_space<vmem>>, vector<16xf32>,
      %add3A_74 = arith.addf %scan3A_56, %get3A_73 : vector<16xf32>
      %get3A_75 = arith.index_cast %scan3A_55 : i32 to index
      %get3A_76 = arith.constant 16 : index
      %get3A_77 = tpu.vector_load %arg5[%get3A_75, %get3A_76] {strides = array<i32>} : memref<50x256xf32, #tpu.memory_space<vmem>>, vector<16xf32>,
      %add3A_78 = arith.addf %scan3A_57, %get3A_77 : vector<16xf32>
      %get3A_79 = arith.index_cast %scan3A_55 : i32 to index
      %get3A_80 = arith.constant 32 : index
      %get3A_81 = tpu.vector_load %arg5[%get3A_79, %get3A_80] {strides = array<i32>} : memref<50x256xf32, #tpu.memory_space<vmem>>, vector<16xf32>,
      %add3A_82 = arith.addf %scan3A_58, %get3A_81 : vector<16xf32>
      %get3A_83 = arith.index_cast %scan3A_55 : i32 to index
      %get3A_84 = arith.constant 48 : index
      %get3A_85 = tpu.vector_load %arg5[%get3A_83, %get3A_84] {strides = array<i32>} : memref<50x256xf32, #tpu.memory_space<vmem>>, vector<16xf32>,
      %add3A_86 = arith.addf %scan3A_59, %get3A_85 : vector<16xf32>
      %get3A_87 = arith.index_cast %scan3A_55 : i32 to index
      %get3A_88 = arith.constant 64 : index
      %get3A_89 = tpu.vector_load %arg5[%get3A_87, %get3A_88] {strides = array<i32>} : memref<50x256xf32, #tpu.memory_space<vmem>>, vector<16xf32>,
      %add3A_90 = arith.addf %scan3A_60, %get3A_89 : vector<16xf32>
      %get3A_91 = arith.index_cast %scan3A_55 : i32 to index
      %get3A_92 = arith.constant 80 : index
      %get3A_93 = tpu.vector_load %arg5[%get3A_91, %get3A_92] {strides = array<i32>} : memref<50x256xf32, #tpu.memory_space<vmem>>, vector<16xf32>,
      %add3A_94 = arith.addf %scan3A_61, %get3A_93 : vector<16xf32>
      %get3A_95 = arith.index_cast %scan3A_55 : i32 to index
      %get3A_96 = arith.constant 96 : index
      %get3A_97 = tpu.vector_load %arg5[%get3A_95, %get3A_96] {strides = array<i32>} : memref<50x256xf32, #tpu.memory_space<vmem>>, vector<16xf32>,
      %add3A_98 = arith.addf %scan3A_62, %get3A_97 : vector<16xf32>
      %get3A_99 = arith.index_cast %scan3A_55 : i32 to index
      %get3A_100 = arith.constant 112 : index
      %get3A_101 = tpu.vector_load %arg5[%get3A_99, %get3A_100] {strides = array<i32>} : memref<50x256xf32, #tpu.memory_space<vmem>>, vector<16xf32>,
      %add3A_102 = arith.addf %scan3A_63, %get3A_101 : vector<16xf32>
      %get3A_103 = arith.index_cast %scan3A_55 : i32 to index
      %get3A_104 = arith.constant 128 : index
      %get3A_105 = tpu.vector_load %arg5[%get3A_103, %get3A_104] {strides = array<i32>} : memref<50x256xf32, #tpu.memory_space<vmem>>, vector<16xf32>,
      %add3A_106 = arith.addf %scan3A_64, %get3A_105 : vector<16xf32>
      %get3A_107 = arith.index_cast %scan3A_55 : i32 to index
      %get3A_108 = arith.constant 144 : index
      %get3A_109 = tpu.vector_load %arg5[%get3A_107, %get3A_108] {strides = array<i32>} : memref<50x256xf32, #tpu.memory_space<vmem>>, vector<16xf32>,
      %add3A_110 = arith.addf %scan3A_65, %get3A_109 : vector<16xf32>
      %get3A_111 = arith.index_cast %scan3A_55 : i32 to index
      %get3A_112 = arith.constant 160 : index
      %get3A_113 = tpu.vector_load %arg5[%get3A_111, %get3A_112] {strides = array<i32>} : memref<50x256xf32, #tpu.memory_space<vmem>>, vector<16xf32>,
      %add3A_114 = arith.addf %scan3A_66, %get3A_113 : vector<16xf32>
      %get3A_115 = arith.index_cast %scan3A_55 : i32 to index
      %get3A_116 = arith.constant 176 : index
      %get3A_117 = tpu.vector_load %arg5[%get3A_115, %get3A_116] {strides = array<i32>} : memref<50x256xf32, #tpu.memory_space<vmem>>, vector<16xf32>,
      %add3A_118 = arith.addf %scan3A_67, %get3A_117 : vector<16xf32>
      %get3A_119 = arith.index_cast %scan3A_55 : i32 to index
      %get3A_120 = arith.constant 192 : index
      %get3A_121 = tpu.vector_load %arg5[%get3A_119, %get3A_120] {strides = array<i32>} : memref<50x256xf32, #tpu.memory_space<vmem>>, vector<16xf32>,
      %add3A_122 = arith.addf %scan3A_68, %get3A_121 : vector<16xf32>
      %get3A_123 = arith.index_cast %scan3A_55 : i32 to index
      %get3A_124 = arith.constant 208 : index
      %get3A_125 = tpu.vector_load %arg5[%get3A_123, %get3A_124] {strides = array<i32>} : memref<50x256xf32, #tpu.memory_space<vmem>>, vector<16xf32>,
      %add3A_126 = arith.addf %scan3A_69, %get3A_125 : vector<16xf32>
      %get3A_127 = arith.index_cast %scan3A_55 : i32 to index
      %get3A_128 = arith.constant 224 : index
      %get3A_129 = tpu.vector_load %arg5[%get3A_127, %get3A_128] {strides = array<i32>} : memref<50x256xf32, #tpu.memory_space<vmem>>, vector<16xf32>,
      %add3A_130 = arith.addf %scan3A_70, %get3A_129 : vector<16xf32>
      %get3A_131 = arith.index_cast %scan3A_55 : i32 to index
      %get3A_132 = arith.constant 240 : index
      %get3A_133 = tpu.vector_load %arg5[%get3A_131, %get3A_132] {strides = array<i32>} : memref<50x256xf32, #tpu.memory_space<vmem>>, vector<16xf32>,
      %add3A_134 = arith.addf %scan3A_71, %get3A_133 : vector<16xf32>
      %scan3A_135 = arith.constant 1 : i32
      %scan3A_136 = arith.addi %scan3A_55, %scan3A_135 : i32
      %get3A_137 = arith.index_cast %scan3A_136 : i32 to index
      %get3A_138 = arith.constant 0 : index
      %get3A_139 = tpu.vector_load %arg5[%get3A_137, %get3A_138] {strides = array<i32>} : memref<50x256xf32, #tpu.memory_space<vmem>>, vector<16xf32>,
      %add3A_140 = arith.addf %add3A_74, %get3A_139 : vector<16xf32>
      %get3A_141 = arith.index_cast %scan3A_136 : i32 to index
      %get3A_142 = arith.constant 16 : index
      %get3A_143 = tpu.vector_load %arg5[%get3A_141, %get3A_142] {strides = array<i32>} : memref<50x256xf32, #tpu.memory_space<vmem>>, vector<16xf32>,
      %add3A_144 = arith.addf %add3A_78, %get3A_143 : vector<16xf32>
      %get3A_145 = arith.index_cast %scan3A_136 : i32 to index
      %get3A_146 = arith.constant 32 : index
      %get3A_147 = tpu.vector_load %arg5[%get3A_145, %get3A_146] {strides = array<i32>} : memref<50x256xf32, #tpu.memory_space<vmem>>, vector<16xf32>,
      %add3A_148 = arith.addf %add3A_82, %get3A_147 : vector<16xf32>
      %get3A_149 = arith.index_cast %scan3A_136 : i32 to index
      %get3A_150 = arith.constant 48 : index
      %get3A_151 = tpu.vector_load %arg5[%get3A_149, %get3A_150] {strides = array<i32>} : memref<50x256xf32, #tpu.memory_space<vmem>>, vector<16xf32>,
      %add3A_152 = arith.addf %add3A_86, %get3A_151 : vector<16xf32>
      %get3A_153 = arith.index_cast %scan3A_136 : i32 to index
      %get3A_154 = arith.constant 64 : index
      %get3A_155 = tpu.vector_load %arg5[%get3A_153, %get3A_154] {strides = array<i32>} : memref<50x256xf32, #tpu.memory_space<vmem>>, vector<16xf32>,
      %add3A_156 = arith.addf %add3A_90, %get3A_155 : vector<16xf32>
      %get3A_157 = arith.index_cast %scan3A_136 : i32 to index
      %get3A_158 = arith.constant 80 : index
      %get3A_159 = tpu.vector_load %arg5[%get3A_157, %get3A_158] {strides = array<i32>} : memref<50x256xf32, #tpu.memory_space<vmem>>, vector<16xf32>,
      %add3A_160 = arith.addf %add3A_94, %get3A_159 : vector<16xf32>
      %get3A_161 = arith.index_cast %scan3A_136 : i32 to index
      %get3A_162 = arith.constant 96 : index
      %get3A_163 = tpu.vector_load %arg5[%get3A_161, %get3A_162] {strides = array<i32>} : memref<50x256xf32, #tpu.memory_space<vmem>>, vector<16xf32>,
      %add3A_164 = arith.addf %add3A_98, %get3A_163 : vector<16xf32>
      %get3A_165 = arith.index_cast %scan3A_136 : i32 to index
      %get3A_166 = arith.constant 112 : index
      %get3A_167 = tpu.vector_load %arg5[%get3A_165, %get3A_166] {strides = array<i32>} : memref<50x256xf32, #tpu.memory_space<vmem>>, vector<16xf32>,
      %add3A_168 = arith.addf %add3A_102, %get3A_167 : vector<16xf32>
      %get3A_169 = arith.index_cast %scan3A_136 : i32 to index
      %get3A_170 = arith.constant 128 : index
      %get3A_171 = tpu.vector_load %arg5[%get3A_169, %get3A_170] {strides = array<i32>} : memref<50x256xf32, #tpu.memory_space<vmem>>, vector<16xf32>,
      %add3A_172 = arith.addf %add3A_106, %get3A_171 : vector<16xf32>
      %get3A_173 = arith.index_cast %scan3A_136 : i32 to index
      %get3A_174 = arith.constant 144 : index
      %get3A_175 = tpu.vector_load %arg5[%get3A_173, %get3A_174] {strides = array<i32>} : memref<50x256xf32, #tpu.memory_space<vmem>>, vector<16xf32>,
      %add3A_176 = arith.addf %add3A_110, %get3A_175 : vector<16xf32>
      %get3A_177 = arith.index_cast %scan3A_136 : i32 to index
      %get3A_178 = arith.constant 160 : index
      %get3A_179 = tpu.vector_load %arg5[%get3A_177, %get3A_178] {strides = array<i32>} : memref<50x256xf32, #tpu.memory_space<vmem>>, vector<16xf32>,
      %add3A_180 = arith.addf %add3A_114, %get3A_179 : vector<16xf32>
      %get3A_181 = arith.index_cast %scan3A_136 : i32 to index
      %get3A_182 = arith.constant 176 : index
      %get3A_183 = tpu.vector_load %arg5[%get3A_181, %get3A_182] {strides = array<i32>} : memref<50x256xf32, #tpu.memory_space<vmem>>, vector<16xf32>,
      %add3A_184 = arith.addf %add3A_118, %get3A_183 : vector<16xf32>
      %get3A_185 = arith.index_cast %scan3A_136 : i32 to index
      %get3A_186 = arith.constant 192 : index
      %get3A_187 = tpu.vector_load %arg5[%get3A_185, %get3A_186] {strides = array<i32>} : memref<50x256xf32, #tpu.memory_space<vmem>>, vector<16xf32>,
      %add3A_188 = arith.addf %add3A_122, %get3A_187 : vector<16xf32>
      %get3A_189 = arith.index_cast %scan3A_136 : i32 to index
      %get3A_190 = arith.constant 208 : index
      %get3A_191 = tpu.vector_load %arg5[%get3A_189, %get3A_190] {strides = array<i32>} : memref<50x256xf32, #tpu.memory_space<vmem>>, vector<16xf32>,
      %add3A_192 = arith.addf %add3A_126, %get3A_191 : vector<16xf32>
      %get3A_193 = arith.index_cast %scan3A_136 : i32 to index
      %get3A_194 = arith.constant 224 : index
      %get3A_195 = tpu.vector_load %arg5[%get3A_193, %get3A_194] {strides = array<i32>} : memref<50x256xf32, #tpu.memory_space<vmem>>, vector<16xf32>,
      %add3A_196 = arith.addf %add3A_130, %get3A_195 : vector<16xf32>
      %get3A_197 = arith.index_cast %scan3A_136 : i32 to index
      %get3A_198 = arith.constant 240 : index
      %get3A_199 = tpu.vector_load %arg5[%get3A_197, %get3A_198] {strides = array<i32>} : memref<50x256xf32, #tpu.memory_space<vmem>>, vector<16xf32>,
      %add3A_200 = arith.addf %add3A_134, %get3A_199 : vector<16xf32>
      %scan3A_201 = arith.constant 2 : i32
      %scan3A_202 = arith.addi %scan3A_55, %scan3A_201 : i32
      %get3A_203 = arith.index_cast %scan3A_202 : i32 to index
      %get3A_204 = arith.constant 0 : index
      %get3A_205 = tpu.vector_load %arg5[%get3A_203, %get3A_204] {strides = array<i32>} : memref<50x256xf32, #tpu.memory_space<vmem>>, vector<16xf32>,
      %add3A_206 = arith.addf %add3A_140, %get3A_205 : vector<16xf32>
      %get3A_207 = arith.index_cast %scan3A_202 : i32 to index
      %get3A_208 = arith.constant 16 : index
      %get3A_209 = tpu.vector_load %arg5[%get3A_207, %get3A_208] {strides = array<i32>} : memref<50x256xf32, #tpu.memory_space<vmem>>, vector<16xf32>,
      %add3A_210 = arith.addf %add3A_144, %get3A_209 : vector<16xf32>
      %get3A_211 = arith.index_cast %scan3A_202 : i32 to index
      %get3A_212 = arith.constant 32 : index
      %get3A_213 = tpu.vector_load %arg5[%get3A_211, %get3A_212] {strides = array<i32>} : memref<50x256xf32, #tpu.memory_space<vmem>>, vector<16xf32>,
      %add3A_214 = arith.addf %add3A_148, %get3A_213 : vector<16xf32>
      %get3A_215 = arith.index_cast %scan3A_202 : i32 to index
      %get3A_216 = arith.constant 48 : index
      %get3A_217 = tpu.vector_load %arg5[%get3A_215, %get3A_216] {strides = array<i32>} : memref<50x256xf32, #tpu.memory_space<vmem>>, vector<16xf32>,
      %add3A_218 = arith.addf %add3A_152, %get3A_217 : vector<16xf32>
      %get3A_219 = arith.index_cast %scan3A_202 : i32 to index
      %get3A_220 = arith.constant 64 : index
      %get3A_221 = tpu.vector_load %arg5[%get3A_219, %get3A_220] {strides = array<i32>} : memref<50x256xf32, #tpu.memory_space<vmem>>, vector<16xf32>,
      %add3A_222 = arith.addf %add3A_156, %get3A_221 : vector<16xf32>
      %get3A_223 = arith.index_cast %scan3A_202 : i32 to index
      %get3A_224 = arith.constant 80 : index
      %get3A_225 = tpu.vector_load %arg5[%get3A_223, %get3A_224] {strides = array<i32>} : memref<50x256xf32, #tpu.memory_space<vmem>>, vector<16xf32>,
      %add3A_226 = arith.addf %add3A_160, %get3A_225 : vector<16xf32>
      %get3A_227 = arith.index_cast %scan3A_202 : i32 to index
      %get3A_228 = arith.constant 96 : index
      %get3A_229 = tpu.vector_load %arg5[%get3A_227, %get3A_228] {strides = array<i32>} : memref<50x256xf32, #tpu.memory_space<vmem>>, vector<16xf32>,
      %add3A_230 = arith.addf %add3A_164, %get3A_229 : vector<16xf32>
      %get3A_231 = arith.index_cast %scan3A_202 : i32 to index
      %get3A_232 = arith.constant 112 : index
      %get3A_233 = tpu.vector_load %arg5[%get3A_231, %get3A_232] {strides = array<i32>} : memref<50x256xf32, #tpu.memory_space<vmem>>, vector<16xf32>,
      %add3A_234 = arith.addf %add3A_168, %get3A_233 : vector<16xf32>
      %get3A_235 = arith.index_cast %scan3A_202 : i32 to index
      %get3A_236 = arith.constant 128 : index
      %get3A_237 = tpu.vector_load %arg5[%get3A_235, %get3A_236] {strides = array<i32>} : memref<50x256xf32, #tpu.memory_space<vmem>>, vector<16xf32>,
      %add3A_238 = arith.addf %add3A_172, %get3A_237 : vector<16xf32>
      %get3A_239 = arith.index_cast %scan3A_202 : i32 to index
      %get3A_240 = arith.constant 144 : index
      %get3A_241 = tpu.vector_load %arg5[%get3A_239, %get3A_240] {strides = array<i32>} : memref<50x256xf32, #tpu.memory_space<vmem>>, vector<16xf32>,
      %add3A_242 = arith.addf %add3A_176, %get3A_241 : vector<16xf32>
      %get3A_243 = arith.index_cast %scan3A_202 : i32 to index
      %get3A_244 = arith.constant 160 : index
      %get3A_245 = tpu.vector_load %arg5[%get3A_243, %get3A_244] {strides = array<i32>} : memref<50x256xf32, #tpu.memory_space<vmem>>, vector<16xf32>,
      %add3A_246 = arith.addf %add3A_180, %get3A_245 : vector<16xf32>
      %get3A_247 = arith.index_cast %scan3A_202 : i32 to index
      %get3A_248 = arith.constant 176 : index
      %get3A_249 = tpu.vector_load %arg5[%get3A_247, %get3A_248] {strides = array<i32>} : memref<50x256xf32, #tpu.memory_space<vmem>>, vector<16xf32>,
      %add3A_250 = arith.addf %add3A_184, %get3A_249 : vector<16xf32>
      %get3A_251 = arith.index_cast %scan3A_202 : i32 to index
      %get3A_252 = arith.constant 192 : index
      %get3A_253 = tpu.vector_load %arg5[%get3A_251, %get3A_252] {strides = array<i32>} : memref<50x256xf32, #tpu.memory_space<vmem>>, vector<16xf32>,
      %add3A_254 = arith.addf %add3A_188, %get3A_253 : vector<16xf32>
      %get3A_255 = arith.index_cast %scan3A_202 : i32 to index
      %get3A_256 = arith.constant 208 : index
      %get3A_257 = tpu.vector_load %arg5[%get3A_255, %get3A_256] {strides = array<i32>} : memref<50x256xf32, #tpu.memory_space<vmem>>, vector<16xf32>,
      %add3A_258 = arith.addf %add3A_192, %get3A_257 : vector<16xf32>
      %get3A_259 = arith.index_cast %scan3A_202 : i32 to index
      %get3A_260 = arith.constant 224 : index
      %get3A_261 = tpu.vector_load %arg5[%get3A_259, %get3A_260] {strides = array<i32>} : memref<50x256xf32, #tpu.memory_space<vmem>>, vector<16xf32>,
      %add3A_262 = arith.addf %add3A_196, %get3A_261 : vector<16xf32>
      %get3A_263 = arith.index_cast %scan3A_202 : i32 to index
      %get3A_264 = arith.constant 240 : index
      %get3A_265 = tpu.vector_load %arg5[%get3A_263, %get3A_264] {strides = array<i32>} : memref<50x256xf32, #tpu.memory_space<vmem>>, vector<16xf32>,
      %add3A_266 = arith.addf %add3A_200, %get3A_265 : vector<16xf32>
      %scan3A_267 = arith.constant 3 : i32
      %scan3A_268 = arith.addi %scan3A_55, %scan3A_267 : i32
      %get3A_269 = arith.index_cast %scan3A_268 : i32 to index
      %get3A_270 = arith.constant 0 : index
      %get3A_271 = tpu.vector_load %arg5[%get3A_269, %get3A_270] {strides = array<i32>} : memref<50x256xf32, #tpu.memory_space<vmem>>, vector<16xf32>,
      %add3A_272 = arith.addf %add3A_206, %get3A_271 : vector<16xf32>
      %get3A_273 = arith.index_cast %scan3A_268 : i32 to index
      %get3A_274 = arith.constant 16 : index
      %get3A_275 = tpu.vector_load %arg5[%get3A_273, %get3A_274] {strides = array<i32>} : memref<50x256xf32, #tpu.memory_space<vmem>>, vector<16xf32>,
      %add3A_276 = arith.addf %add3A_210, %get3A_275 : vector<16xf32>
      %get3A_277 = arith.index_cast %scan3A_268 : i32 to index
      %get3A_278 = arith.constant 32 : index
      %get3A_279 = tpu.vector_load %arg5[%get3A_277, %get3A_278] {strides = array<i32>} : memref<50x256xf32, #tpu.memory_space<vmem>>, vector<16xf32>,
      %add3A_280 = arith.addf %add3A_214, %get3A_279 : vector<16xf32>
      %get3A_281 = arith.index_cast %scan3A_268 : i32 to index
      %get3A_282 = arith.constant 48 : index
      %get3A_283 = tpu.vector_load %arg5[%get3A_281, %get3A_282] {strides = array<i32>} : memref<50x256xf32, #tpu.memory_space<vmem>>, vector<16xf32>,
      %add3A_284 = arith.addf %add3A_218, %get3A_283 : vector<16xf32>
      %get3A_285 = arith.index_cast %scan3A_268 : i32 to index
      %get3A_286 = arith.constant 64 : index
      %get3A_287 = tpu.vector_load %arg5[%get3A_285, %get3A_286] {strides = array<i32>} : memref<50x256xf32, #tpu.memory_space<vmem>>, vector<16xf32>,
      %add3A_288 = arith.addf %add3A_222, %get3A_287 : vector<16xf32>
      %get3A_289 = arith.index_cast %scan3A_268 : i32 to index
      %get3A_290 = arith.constant 80 : index
      %get3A_291 = tpu.vector_load %arg5[%get3A_289, %get3A_290] {strides = array<i32>} : memref<50x256xf32, #tpu.memory_space<vmem>>, vector<16xf32>,
      %add3A_292 = arith.addf %add3A_226, %get3A_291 : vector<16xf32>
      %get3A_293 = arith.index_cast %scan3A_268 : i32 to index
      %get3A_294 = arith.constant 96 : index
      %get3A_295 = tpu.vector_load %arg5[%get3A_293, %get3A_294] {strides = array<i32>} : memref<50x256xf32, #tpu.memory_space<vmem>>, vector<16xf32>,
      %add3A_296 = arith.addf %add3A_230, %get3A_295 : vector<16xf32>
      %get3A_297 = arith.index_cast %scan3A_268 : i32 to index
      %get3A_298 = arith.constant 112 : index
      %get3A_299 = tpu.vector_load %arg5[%get3A_297, %get3A_298] {strides = array<i32>} : memref<50x256xf32, #tpu.memory_space<vmem>>, vector<16xf32>,
      %add3A_300 = arith.addf %add3A_234, %get3A_299 : vector<16xf32>
      %get3A_301 = arith.index_cast %scan3A_268 : i32 to index
      %get3A_302 = arith.constant 128 : index
      %get3A_303 = tpu.vector_load %arg5[%get3A_301, %get3A_302] {strides = array<i32>} : memref<50x256xf32, #tpu.memory_space<vmem>>, vector<16xf32>,
      %add3A_304 = arith.addf %add3A_238, %get3A_303 : vector<16xf32>
      %get3A_305 = arith.index_cast %scan3A_268 : i32 to index
      %get3A_306 = arith.constant 144 : index
      %get3A_307 = tpu.vector_load %arg5[%get3A_305, %get3A_306] {strides = array<i32>} : memref<50x256xf32, #tpu.memory_space<vmem>>, vector<16xf32>,
      %add3A_308 = arith.addf %add3A_242, %get3A_307 : vector<16xf32>
      %get3A_309 = arith.index_cast %scan3A_268 : i32 to index
      %get3A_310 = arith.constant 160 : index
      %get3A_311 = tpu.vector_load %arg5[%get3A_309, %get3A_310] {strides = array<i32>} : memref<50x256xf32, #tpu.memory_space<vmem>>, vector<16xf32>,
      %add3A_312 = arith.addf %add3A_246, %get3A_311 : vector<16xf32>
      %get3A_313 = arith.index_cast %scan3A_268 : i32 to index
      %get3A_314 = arith.constant 176 : index
      %get3A_315 = tpu.vector_load %arg5[%get3A_313, %get3A_314] {strides = array<i32>} : memref<50x256xf32, #tpu.memory_space<vmem>>, vector<16xf32>,
      %add3A_316 = arith.addf %add3A_250, %get3A_315 : vector<16xf32>
      %get3A_317 = arith.index_cast %scan3A_268 : i32 to index
      %get3A_318 = arith.constant 192 : index
      %get3A_319 = tpu.vector_load %arg5[%get3A_317, %get3A_318] {strides = array<i32>} : memref<50x256xf32, #tpu.memory_space<vmem>>, vector<16xf32>,
      %add3A_320 = arith.addf %add3A_254, %get3A_319 : vector<16xf32>
      %get3A_321 = arith.index_cast %scan3A_268 : i32 to index
      %get3A_322 = arith.constant 208 : index
      %get3A_323 = tpu.vector_load %arg5[%get3A_321, %get3A_322] {strides = array<i32>} : memref<50x256xf32, #tpu.memory_space<vmem>>, vector<16xf32>,
      %add3A_324 = arith.addf %add3A_258, %get3A_323 : vector<16xf32>
      %get3A_325 = arith.index_cast %scan3A_268 : i32 to index
      %get3A_326 = arith.constant 224 : index
      %get3A_327 = tpu.vector_load %arg5[%get3A_325, %get3A_326] {strides = array<i32>} : memref<50x256xf32, #tpu.memory_space<vmem>>, vector<16xf32>,
      %add3A_328 = arith.addf %add3A_262, %get3A_327 : vector<16xf32>
      %get3A_329 = arith.index_cast %scan3A_268 : i32 to index
      %get3A_330 = arith.constant 240 : index
      %get3A_331 = tpu.vector_load %arg5[%get3A_329, %get3A_330] {strides = array<i32>} : memref<50x256xf32, #tpu.memory_space<vmem>>, vector<16xf32>,
      %add3A_332 = arith.addf %add3A_266, %get3A_331 : vector<16xf32>
      %scan3A_333 = arith.constant 4 : i32
      %scan3A_334 = arith.addi %scan3A_55, %scan3A_333 : i32
      %get3A_335 = arith.index_cast %scan3A_334 : i32 to index
      %get3A_336 = arith.constant 0 : index
      %get3A_337 = tpu.vector_load %arg5[%get3A_335, %get3A_336] {strides = array<i32>} : memref<50x256xf32, #tpu.memory_space<vmem>>, vector<16xf32>,
      %add3A_338 = arith.addf %add3A_272, %get3A_337 : vector<16xf32>
      %get3A_339 = arith.index_cast %scan3A_334 : i32 to index
      %get3A_340 = arith.constant 16 : index
      %get3A_341 = tpu.vector_load %arg5[%get3A_339, %get3A_340] {strides = array<i32>} : memref<50x256xf32, #tpu.memory_space<vmem>>, vector<16xf32>,
      %add3A_342 = arith.addf %add3A_276, %get3A_341 : vector<16xf32>
      %get3A_343 = arith.index_cast %scan3A_334 : i32 to index
      %get3A_344 = arith.constant 32 : index
      %get3A_345 = tpu.vector_load %arg5[%get3A_343, %get3A_344] {strides = array<i32>} : memref<50x256xf32, #tpu.memory_space<vmem>>, vector<16xf32>,
      %add3A_346 = arith.addf %add3A_280, %get3A_345 : vector<16xf32>
      %get3A_347 = arith.index_cast %scan3A_334 : i32 to index
      %get3A_348 = arith.constant 48 : index
      %get3A_349 = tpu.vector_load %arg5[%get3A_347, %get3A_348] {strides = array<i32>} : memref<50x256xf32, #tpu.memory_space<vmem>>, vector<16xf32>,
      %add3A_350 = arith.addf %add3A_284, %get3A_349 : vector<16xf32>
      %get3A_351 = arith.index_cast %scan3A_334 : i32 to index
      %get3A_352 = arith.constant 64 : index
      %get3A_353 = tpu.vector_load %arg5[%get3A_351, %get3A_352] {strides = array<i32>} : memref<50x256xf32, #tpu.memory_space<vmem>>, vector<16xf32>,
      %add3A_354 = arith.addf %add3A_288, %get3A_353 : vector<16xf32>
      %get3A_355 = arith.index_cast %scan3A_334 : i32 to index
      %get3A_356 = arith.constant 80 : index
      %get3A_357 = tpu.vector_load %arg5[%get3A_355, %get3A_356] {strides = array<i32>} : memref<50x256xf32, #tpu.memory_space<vmem>>, vector<16xf32>,
      %add3A_358 = arith.addf %add3A_292, %get3A_357 : vector<16xf32>
      %get3A_359 = arith.index_cast %scan3A_334 : i32 to index
      %get3A_360 = arith.constant 96 : index
      %get3A_361 = tpu.vector_load %arg5[%get3A_359, %get3A_360] {strides = array<i32>} : memref<50x256xf32, #tpu.memory_space<vmem>>, vector<16xf32>,
      %add3A_362 = arith.addf %add3A_296, %get3A_361 : vector<16xf32>
      %get3A_363 = arith.index_cast %scan3A_334 : i32 to index
      %get3A_364 = arith.constant 112 : index
      %get3A_365 = tpu.vector_load %arg5[%get3A_363, %get3A_364] {strides = array<i32>} : memref<50x256xf32, #tpu.memory_space<vmem>>, vector<16xf32>,
      %add3A_366 = arith.addf %add3A_300, %get3A_365 : vector<16xf32>
      %get3A_367 = arith.index_cast %scan3A_334 : i32 to index
      %get3A_368 = arith.constant 128 : index
      %get3A_369 = tpu.vector_load %arg5[%get3A_367, %get3A_368] {strides = array<i32>} : memref<50x256xf32, #tpu.memory_space<vmem>>, vector<16xf32>,
      %add3A_370 = arith.addf %add3A_304, %get3A_369 : vector<16xf32>
      %get3A_371 = arith.index_cast %scan3A_334 : i32 to index
      %get3A_372 = arith.constant 144 : index
      %get3A_373 = tpu.vector_load %arg5[%get3A_371, %get3A_372] {strides = array<i32>} : memref<50x256xf32, #tpu.memory_space<vmem>>, vector<16xf32>,
      %add3A_374 = arith.addf %add3A_308, %get3A_373 : vector<16xf32>
      %get3A_375 = arith.index_cast %scan3A_334 : i32 to index
      %get3A_376 = arith.constant 160 : index
      %get3A_377 = tpu.vector_load %arg5[%get3A_375, %get3A_376] {strides = array<i32>} : memref<50x256xf32, #tpu.memory_space<vmem>>, vector<16xf32>,
      %add3A_378 = arith.addf %add3A_312, %get3A_377 : vector<16xf32>
      %get3A_379 = arith.index_cast %scan3A_334 : i32 to index
      %get3A_380 = arith.constant 176 : index
      %get3A_381 = tpu.vector_load %arg5[%get3A_379, %get3A_380] {strides = array<i32>} : memref<50x256xf32, #tpu.memory_space<vmem>>, vector<16xf32>,
      %add3A_382 = arith.addf %add3A_316, %get3A_381 : vector<16xf32>
      %get3A_383 = arith.index_cast %scan3A_334 : i32 to index
      %get3A_384 = arith.constant 192 : index
      %get3A_385 = tpu.vector_load %arg5[%get3A_383, %get3A_384] {strides = array<i32>} : memref<50x256xf32, #tpu.memory_space<vmem>>, vector<16xf32>,
      %add3A_386 = arith.addf %add3A_320, %get3A_385 : vector<16xf32>
      %get3A_387 = arith.index_cast %scan3A_334 : i32 to index
      %get3A_388 = arith.constant 208 : index
      %get3A_389 = tpu.vector_load %arg5[%get3A_387, %get3A_388] {strides = array<i32>} : memref<50x256xf32, #tpu.memory_space<vmem>>, vector<16xf32>,
      %add3A_390 = arith.addf %add3A_324, %get3A_389 : vector<16xf32>
      %get3A_391 = arith.index_cast %scan3A_334 : i32 to index
      %get3A_392 = arith.constant 224 : index
      %get3A_393 = tpu.vector_load %arg5[%get3A_391, %get3A_392] {strides = array<i32>} : memref<50x256xf32, #tpu.memory_space<vmem>>, vector<16xf32>,
      %add3A_394 = arith.addf %add3A_328, %get3A_393 : vector<16xf32>
      %get3A_395 = arith.index_cast %scan3A_334 : i32 to index
      %get3A_396 = arith.constant 240 : index
      %get3A_397 = tpu.vector_load %arg5[%get3A_395, %get3A_396] {strides = array<i32>} : memref<50x256xf32, #tpu.memory_space<vmem>>, vector<16xf32>,
      %add3A_398 = arith.addf %add3A_332, %get3A_397 : vector<16xf32>
      scf.yield %add3A_338, %add3A_342, %add3A_346, %add3A_350, %add3A_354, %add3A_358, %add3A_362, %add3A_366, %add3A_370, %add3A_374, %add3A_378, %add3A_382, %add3A_386, %add3A_390, %add3A_394, %add3A_398 : vector<16xf32>, vector<16xf32>, vector<16xf32>, vector<16xf32>, vector<16xf32>, vector<16xf32>, vector<16xf32>, vector<16xf32>, vector<16xf32>, vector<16xf32>, vector<16xf32>, vector<16xf32>, vector<16xf32>, vector<16xf32>, vector<16xf32>, vector<16xf32>
    }
    %scan3A_48 = arith.constant 50 : i32
    %barrier3A = arith.constant 0 : index
    tpu.barrier barrier_id(%barrier3A)
    "tpu.region"() ({
      %run_scoped3A = tpu.sem_alloc : memref<!tpu.dma_semaphore, #tpu.memory_space<semaphore_mem>>
      tpu.enqueue_dma source(%arg9 : memref<64xf32, #tpu.memory_space<vmem_shared>>) target(%arg7 : memref<64xf32, #tpu.memory_space<vmem>>) target_semaphore(%run_scoped3A : memref<!tpu.dma_semaphore, #tpu.memory_space<semaphore_mem>>)
      tpu.wait_dma2 semaphore(%run_scoped3A : memref<!tpu.dma_semaphore, #tpu.memory_space<semaphore_mem>>) src(%arg9 : memref<64xf32, #tpu.memory_space<vmem_shared>>) dst(%arg7 : memref<64xf32, #tpu.memory_space<vmem>>)
      tpu.yield
    }) : () -> ()
    %scan3A_49 = arith.constant 0 : i32
    %scan3A_50 = arith.constant 0 : i32
    %scan3A_51 = arith.constant 64 : i32
    %scan3A_52 = arith.addi %scan3A_50, %scan3A_51 : i32
    %scan3A_53 = arith.constant 4 : i32
    scf.for %scan3A_55 = %scan3A_50 to %scan3A_52 step %scan3A_53  : i32 {
      %broadcast_in_dim3A_56 = arith.constant 0 : i32
      %broadcast_in_dim3A_57 = vector.broadcast %broadcast_in_dim3A_56 : i32 to vector<16xi32>
      %add3A_58 = vector.broadcast %scan3A_55 : i32 to vector<16xi32>
      %add3A_59 = arith.addi %broadcast_in_dim3A_57, %add3A_58 : vector<16xi32>
      %gather3A = tpu.vector_load_idx %arg7[%add3A_59] : memref<64xf32, #tpu.memory_space<vmem>>[vector<16xi32>], vector<16xf32>,
      %mul3A_60 = arith.mulf %gather3A, %scan3A_47#0 : vector<16xf32>
      %swap3A = arith.index_cast %scan3A_55 : i32 to index
      %swap3A_61 = arith.constant 0 : index
      %swap3A_62 = tpu.vector_load %arg8[%swap3A, %swap3A_61] {strides = array<i32>} : memref<64x256xf32, #tpu.memory_space<vmem>>, vector<16xf32>,
      tpu.vector_store %arg8[%swap3A, %swap3A_61], %mul3A_60 {strides = array<i32>} : memref<64x256xf32, #tpu.memory_space<vmem>>, vector<16xf32>,
      %mul3A_63 = arith.mulf %gather3A, %scan3A_47#1 : vector<16xf32>
      %swap3A_64 = arith.index_cast %scan3A_55 : i32 to index
      %swap3A_65 = arith.constant 16 : index
      %swap3A_66 = tpu.vector_load %arg8[%swap3A_64, %swap3A_65] {strides = array<i32>} : memref<64x256xf32, #tpu.memory_space<vmem>>, vector<16xf32>,
      tpu.vector_store %arg8[%swap3A_64, %swap3A_65], %mul3A_63 {strides = array<i32>} : memref<64x256xf32, #tpu.memory_space<vmem>>, vector<16xf32>,
      %mul3A_67 = arith.mulf %gather3A, %scan3A_47#2 : vector<16xf32>
      %swap3A_68 = arith.index_cast %scan3A_55 : i32 to index
      %swap3A_69 = arith.constant 32 : index
      %swap3A_70 = tpu.vector_load %arg8[%swap3A_68, %swap3A_69] {strides = array<i32>} : memref<64x256xf32, #tpu.memory_space<vmem>>, vector<16xf32>,
      tpu.vector_store %arg8[%swap3A_68, %swap3A_69], %mul3A_67 {strides = array<i32>} : memref<64x256xf32, #tpu.memory_space<vmem>>, vector<16xf32>,
      %mul3A_71 = arith.mulf %gather3A, %scan3A_47#3 : vector<16xf32>
      %swap3A_72 = arith.index_cast %scan3A_55 : i32 to index
      %swap3A_73 = arith.constant 48 : index
      %swap3A_74 = tpu.vector_load %arg8[%swap3A_72, %swap3A_73] {strides = array<i32>} : memref<64x256xf32, #tpu.memory_space<vmem>>, vector<16xf32>,
      tpu.vector_store %arg8[%swap3A_72, %swap3A_73], %mul3A_71 {strides = array<i32>} : memref<64x256xf32, #tpu.memory_space<vmem>>, vector<16xf32>,
      %mul3A_75 = arith.mulf %gather3A, %scan3A_47#4 : vector<16xf32>
      %swap3A_76 = arith.index_cast %scan3A_55 : i32 to index
      %swap3A_77 = arith.constant 64 : index
      %swap3A_78 = tpu.vector_load %arg8[%swap3A_76, %swap3A_77] {strides = array<i32>} : memref<64x256xf32, #tpu.memory_space<vmem>>, vector<16xf32>,
      tpu.vector_store %arg8[%swap3A_76, %swap3A_77], %mul3A_75 {strides = array<i32>} : memref<64x256xf32, #tpu.memory_space<vmem>>, vector<16xf32>,
      %mul3A_79 = arith.mulf %gather3A, %scan3A_47#5 : vector<16xf32>
      %swap3A_80 = arith.index_cast %scan3A_55 : i32 to index
      %swap3A_81 = arith.constant 80 : index
      %swap3A_82 = tpu.vector_load %arg8[%swap3A_80, %swap3A_81] {strides = array<i32>} : memref<64x256xf32, #tpu.memory_space<vmem>>, vector<16xf32>,
      tpu.vector_store %arg8[%swap3A_80, %swap3A_81], %mul3A_79 {strides = array<i32>} : memref<64x256xf32, #tpu.memory_space<vmem>>, vector<16xf32>,
      %mul3A_83 = arith.mulf %gather3A, %scan3A_47#6 : vector<16xf32>
      %swap3A_84 = arith.index_cast %scan3A_55 : i32 to index
      %swap3A_85 = arith.constant 96 : index
      %swap3A_86 = tpu.vector_load %arg8[%swap3A_84, %swap3A_85] {strides = array<i32>} : memref<64x256xf32, #tpu.memory_space<vmem>>, vector<16xf32>,
      tpu.vector_store %arg8[%swap3A_84, %swap3A_85], %mul3A_83 {strides = array<i32>} : memref<64x256xf32, #tpu.memory_space<vmem>>, vector<16xf32>,
      %mul3A_87 = arith.mulf %gather3A, %scan3A_47#7 : vector<16xf32>
      %swap3A_88 = arith.index_cast %scan3A_55 : i32 to index
      %swap3A_89 = arith.constant 112 : index
      %swap3A_90 = tpu.vector_load %arg8[%swap3A_88, %swap3A_89] {strides = array<i32>} : memref<64x256xf32, #tpu.memory_space<vmem>>, vector<16xf32>,
      tpu.vector_store %arg8[%swap3A_88, %swap3A_89], %mul3A_87 {strides = array<i32>} : memref<64x256xf32, #tpu.memory_space<vmem>>, vector<16xf32>,
      %mul3A_91 = arith.mulf %gather3A, %scan3A_47#8 : vector<16xf32>
      %swap3A_92 = arith.index_cast %scan3A_55 : i32 to index
      %swap3A_93 = arith.constant 128 : index
      %swap3A_94 = tpu.vector_load %arg8[%swap3A_92, %swap3A_93] {strides = array<i32>} : memref<64x256xf32, #tpu.memory_space<vmem>>, vector<16xf32>,
      tpu.vector_store %arg8[%swap3A_92, %swap3A_93], %mul3A_91 {strides = array<i32>} : memref<64x256xf32, #tpu.memory_space<vmem>>, vector<16xf32>,
      %mul3A_95 = arith.mulf %gather3A, %scan3A_47#9 : vector<16xf32>
      %swap3A_96 = arith.index_cast %scan3A_55 : i32 to index
      %swap3A_97 = arith.constant 144 : index
      %swap3A_98 = tpu.vector_load %arg8[%swap3A_96, %swap3A_97] {strides = array<i32>} : memref<64x256xf32, #tpu.memory_space<vmem>>, vector<16xf32>,
      tpu.vector_store %arg8[%swap3A_96, %swap3A_97], %mul3A_95 {strides = array<i32>} : memref<64x256xf32, #tpu.memory_space<vmem>>, vector<16xf32>,
      %mul3A_99 = arith.mulf %gather3A, %scan3A_47#10 : vector<16xf32>
      %swap3A_100 = arith.index_cast %scan3A_55 : i32 to index
      %swap3A_101 = arith.constant 160 : index
      %swap3A_102 = tpu.vector_load %arg8[%swap3A_100, %swap3A_101] {strides = array<i32>} : memref<64x256xf32, #tpu.memory_space<vmem>>, vector<16xf32>,
      tpu.vector_store %arg8[%swap3A_100, %swap3A_101], %mul3A_99 {strides = array<i32>} : memref<64x256xf32, #tpu.memory_space<vmem>>, vector<16xf32>,
      %mul3A_103 = arith.mulf %gather3A, %scan3A_47#11 : vector<16xf32>
      %swap3A_104 = arith.index_cast %scan3A_55 : i32 to index
      %swap3A_105 = arith.constant 176 : index
      %swap3A_106 = tpu.vector_load %arg8[%swap3A_104, %swap3A_105] {strides = array<i32>} : memref<64x256xf32, #tpu.memory_space<vmem>>, vector<16xf32>,
      tpu.vector_store %arg8[%swap3A_104, %swap3A_105], %mul3A_103 {strides = array<i32>} : memref<64x256xf32, #tpu.memory_space<vmem>>, vector<16xf32>,
      %mul3A_107 = arith.mulf %gather3A, %scan3A_47#12 : vector<16xf32>
      %swap3A_108 = arith.index_cast %scan3A_55 : i32 to index
      %swap3A_109 = arith.constant 192 : index
      %swap3A_110 = tpu.vector_load %arg8[%swap3A_108, %swap3A_109] {strides = array<i32>} : memref<64x256xf32, #tpu.memory_space<vmem>>, vector<16xf32>,
      tpu.vector_store %arg8[%swap3A_108, %swap3A_109], %mul3A_107 {strides = array<i32>} : memref<64x256xf32, #tpu.memory_space<vmem>>, vector<16xf32>,
      %mul3A_111 = arith.mulf %gather3A, %scan3A_47#13 : vector<16xf32>
      %swap3A_112 = arith.index_cast %scan3A_55 : i32 to index
      %swap3A_113 = arith.constant 208 : index
      %swap3A_114 = tpu.vector_load %arg8[%swap3A_112, %swap3A_113] {strides = array<i32>} : memref<64x256xf32, #tpu.memory_space<vmem>>, vector<16xf32>,
      tpu.vector_store %arg8[%swap3A_112, %swap3A_113], %mul3A_111 {strides = array<i32>} : memref<64x256xf32, #tpu.memory_space<vmem>>, vector<16xf32>,
      %mul3A_115 = arith.mulf %gather3A, %scan3A_47#14 : vector<16xf32>
      %swap3A_116 = arith.index_cast %scan3A_55 : i32 to index
      %swap3A_117 = arith.constant 224 : index
      %swap3A_118 = tpu.vector_load %arg8[%swap3A_116, %swap3A_117] {strides = array<i32>} : memref<64x256xf32, #tpu.memory_space<vmem>>, vector<16xf32>,
      tpu.vector_store %arg8[%swap3A_116, %swap3A_117], %mul3A_115 {strides = array<i32>} : memref<64x256xf32, #tpu.memory_space<vmem>>, vector<16xf32>,
      %mul3A_119 = arith.mulf %gather3A, %scan3A_47#15 : vector<16xf32>
      %swap3A_120 = arith.index_cast %scan3A_55 : i32 to index
      %swap3A_121 = arith.constant 240 : index
      %swap3A_122 = tpu.vector_load %arg8[%swap3A_120, %swap3A_121] {strides = array<i32>} : memref<64x256xf32, #tpu.memory_space<vmem>>, vector<16xf32>,
      tpu.vector_store %arg8[%swap3A_120, %swap3A_121], %mul3A_119 {strides = array<i32>} : memref<64x256xf32, #tpu.memory_space<vmem>>, vector<16xf32>,
      %scan3A_123 = arith.constant 1 : i32
      %scan3A_124 = arith.addi %scan3A_55, %scan3A_123 : i32
      %broadcast_in_dim3A_125 = arith.constant 0 : i32
      %broadcast_in_dim3A_126 = vector.broadcast %broadcast_in_dim3A_125 : i32 to vector<16xi32>
      %add3A_127 = vector.broadcast %scan3A_124 : i32 to vector<16xi32>
      %add3A_128 = arith.addi %broadcast_in_dim3A_126, %add3A_127 : vector<16xi32>
      %gather3A_129 = tpu.vector_load_idx %arg7[%add3A_128] : memref<64xf32, #tpu.memory_space<vmem>>[vector<16xi32>], vector<16xf32>,
      %mul3A_130 = arith.mulf %gather3A_129, %scan3A_47#0 : vector<16xf32>
      %swap3A_131 = arith.index_cast %scan3A_124 : i32 to index
      %swap3A_132 = arith.constant 0 : index
      %swap3A_133 = tpu.vector_load %arg8[%swap3A_131, %swap3A_132] {strides = array<i32>} : memref<64x256xf32, #tpu.memory_space<vmem>>, vector<16xf32>,
      tpu.vector_store %arg8[%swap3A_131, %swap3A_132], %mul3A_130 {strides = array<i32>} : memref<64x256xf32, #tpu.memory_space<vmem>>, vector<16xf32>,
      %mul3A_134 = arith.mulf %gather3A_129, %scan3A_47#1 : vector<16xf32>
      %swap3A_135 = arith.index_cast %scan3A_124 : i32 to index
      %swap3A_136 = arith.constant 16 : index
      %swap3A_137 = tpu.vector_load %arg8[%swap3A_135, %swap3A_136] {strides = array<i32>} : memref<64x256xf32, #tpu.memory_space<vmem>>, vector<16xf32>,
      tpu.vector_store %arg8[%swap3A_135, %swap3A_136], %mul3A_134 {strides = array<i32>} : memref<64x256xf32, #tpu.memory_space<vmem>>, vector<16xf32>,
      %mul3A_138 = arith.mulf %gather3A_129, %scan3A_47#2 : vector<16xf32>
      %swap3A_139 = arith.index_cast %scan3A_124 : i32 to index
      %swap3A_140 = arith.constant 32 : index
      %swap3A_141 = tpu.vector_load %arg8[%swap3A_139, %swap3A_140] {strides = array<i32>} : memref<64x256xf32, #tpu.memory_space<vmem>>, vector<16xf32>,
      tpu.vector_store %arg8[%swap3A_139, %swap3A_140], %mul3A_138 {strides = array<i32>} : memref<64x256xf32, #tpu.memory_space<vmem>>, vector<16xf32>,
      %mul3A_142 = arith.mulf %gather3A_129, %scan3A_47#3 : vector<16xf32>
      %swap3A_143 = arith.index_cast %scan3A_124 : i32 to index
      %swap3A_144 = arith.constant 48 : index
      %swap3A_145 = tpu.vector_load %arg8[%swap3A_143, %swap3A_144] {strides = array<i32>} : memref<64x256xf32, #tpu.memory_space<vmem>>, vector<16xf32>,
      tpu.vector_store %arg8[%swap3A_143, %swap3A_144], %mul3A_142 {strides = array<i32>} : memref<64x256xf32, #tpu.memory_space<vmem>>, vector<16xf32>,
      %mul3A_146 = arith.mulf %gather3A_129, %scan3A_47#4 : vector<16xf32>
      %swap3A_147 = arith.index_cast %scan3A_124 : i32 to index
      %swap3A_148 = arith.constant 64 : index
      %swap3A_149 = tpu.vector_load %arg8[%swap3A_147, %swap3A_148] {strides = array<i32>} : memref<64x256xf32, #tpu.memory_space<vmem>>, vector<16xf32>,
      tpu.vector_store %arg8[%swap3A_147, %swap3A_148], %mul3A_146 {strides = array<i32>} : memref<64x256xf32, #tpu.memory_space<vmem>>, vector<16xf32>,
      %mul3A_150 = arith.mulf %gather3A_129, %scan3A_47#5 : vector<16xf32>
      %swap3A_151 = arith.index_cast %scan3A_124 : i32 to index
      %swap3A_152 = arith.constant 80 : index
      %swap3A_153 = tpu.vector_load %arg8[%swap3A_151, %swap3A_152] {strides = array<i32>} : memref<64x256xf32, #tpu.memory_space<vmem>>, vector<16xf32>,
      tpu.vector_store %arg8[%swap3A_151, %swap3A_152], %mul3A_150 {strides = array<i32>} : memref<64x256xf32, #tpu.memory_space<vmem>>, vector<16xf32>,
      %mul3A_154 = arith.mulf %gather3A_129, %scan3A_47#6 : vector<16xf32>
      %swap3A_155 = arith.index_cast %scan3A_124 : i32 to index
      %swap3A_156 = arith.constant 96 : index
      %swap3A_157 = tpu.vector_load %arg8[%swap3A_155, %swap3A_156] {strides = array<i32>} : memref<64x256xf32, #tpu.memory_space<vmem>>, vector<16xf32>,
      tpu.vector_store %arg8[%swap3A_155, %swap3A_156], %mul3A_154 {strides = array<i32>} : memref<64x256xf32, #tpu.memory_space<vmem>>, vector<16xf32>,
      %mul3A_158 = arith.mulf %gather3A_129, %scan3A_47#7 : vector<16xf32>
      %swap3A_159 = arith.index_cast %scan3A_124 : i32 to index
      %swap3A_160 = arith.constant 112 : index
      %swap3A_161 = tpu.vector_load %arg8[%swap3A_159, %swap3A_160] {strides = array<i32>} : memref<64x256xf32, #tpu.memory_space<vmem>>, vector<16xf32>,
      tpu.vector_store %arg8[%swap3A_159, %swap3A_160], %mul3A_158 {strides = array<i32>} : memref<64x256xf32, #tpu.memory_space<vmem>>, vector<16xf32>,
      %mul3A_162 = arith.mulf %gather3A_129, %scan3A_47#8 : vector<16xf32>
      %swap3A_163 = arith.index_cast %scan3A_124 : i32 to index
      %swap3A_164 = arith.constant 128 : index
      %swap3A_165 = tpu.vector_load %arg8[%swap3A_163, %swap3A_164] {strides = array<i32>} : memref<64x256xf32, #tpu.memory_space<vmem>>, vector<16xf32>,
      tpu.vector_store %arg8[%swap3A_163, %swap3A_164], %mul3A_162 {strides = array<i32>} : memref<64x256xf32, #tpu.memory_space<vmem>>, vector<16xf32>,
      %mul3A_166 = arith.mulf %gather3A_129, %scan3A_47#9 : vector<16xf32>
      %swap3A_167 = arith.index_cast %scan3A_124 : i32 to index
      %swap3A_168 = arith.constant 144 : index
      %swap3A_169 = tpu.vector_load %arg8[%swap3A_167, %swap3A_168] {strides = array<i32>} : memref<64x256xf32, #tpu.memory_space<vmem>>, vector<16xf32>,
      tpu.vector_store %arg8[%swap3A_167, %swap3A_168], %mul3A_166 {strides = array<i32>} : memref<64x256xf32, #tpu.memory_space<vmem>>, vector<16xf32>,
      %mul3A_170 = arith.mulf %gather3A_129, %scan3A_47#10 : vector<16xf32>
      %swap3A_171 = arith.index_cast %scan3A_124 : i32 to index
      %swap3A_172 = arith.constant 160 : index
      %swap3A_173 = tpu.vector_load %arg8[%swap3A_171, %swap3A_172] {strides = array<i32>} : memref<64x256xf32, #tpu.memory_space<vmem>>, vector<16xf32>,
      tpu.vector_store %arg8[%swap3A_171, %swap3A_172], %mul3A_170 {strides = array<i32>} : memref<64x256xf32, #tpu.memory_space<vmem>>, vector<16xf32>,
      %mul3A_174 = arith.mulf %gather3A_129, %scan3A_47#11 : vector<16xf32>
      %swap3A_175 = arith.index_cast %scan3A_124 : i32 to index
      %swap3A_176 = arith.constant 176 : index
      %swap3A_177 = tpu.vector_load %arg8[%swap3A_175, %swap3A_176] {strides = array<i32>} : memref<64x256xf32, #tpu.memory_space<vmem>>, vector<16xf32>,
      tpu.vector_store %arg8[%swap3A_175, %swap3A_176], %mul3A_174 {strides = array<i32>} : memref<64x256xf32, #tpu.memory_space<vmem>>, vector<16xf32>,
      %mul3A_178 = arith.mulf %gather3A_129, %scan3A_47#12 : vector<16xf32>
      %swap3A_179 = arith.index_cast %scan3A_124 : i32 to index
      %swap3A_180 = arith.constant 192 : index
      %swap3A_181 = tpu.vector_load %arg8[%swap3A_179, %swap3A_180] {strides = array<i32>} : memref<64x256xf32, #tpu.memory_space<vmem>>, vector<16xf32>,
      tpu.vector_store %arg8[%swap3A_179, %swap3A_180], %mul3A_178 {strides = array<i32>} : memref<64x256xf32, #tpu.memory_space<vmem>>, vector<16xf32>,
      %mul3A_182 = arith.mulf %gather3A_129, %scan3A_47#13 : vector<16xf32>
      %swap3A_183 = arith.index_cast %scan3A_124 : i32 to index
      %swap3A_184 = arith.constant 208 : index
      %swap3A_185 = tpu.vector_load %arg8[%swap3A_183, %swap3A_184] {strides = array<i32>} : memref<64x256xf32, #tpu.memory_space<vmem>>, vector<16xf32>,
      tpu.vector_store %arg8[%swap3A_183, %swap3A_184], %mul3A_182 {strides = array<i32>} : memref<64x256xf32, #tpu.memory_space<vmem>>, vector<16xf32>,
      %mul3A_186 = arith.mulf %gather3A_129, %scan3A_47#14 : vector<16xf32>
      %swap3A_187 = arith.index_cast %scan3A_124 : i32 to index
      %swap3A_188 = arith.constant 224 : index
      %swap3A_189 = tpu.vector_load %arg8[%swap3A_187, %swap3A_188] {strides = array<i32>} : memref<64x256xf32, #tpu.memory_space<vmem>>, vector<16xf32>,
      tpu.vector_store %arg8[%swap3A_187, %swap3A_188], %mul3A_186 {strides = array<i32>} : memref<64x256xf32, #tpu.memory_space<vmem>>, vector<16xf32>,
      %mul3A_190 = arith.mulf %gather3A_129, %scan3A_47#15 : vector<16xf32>
      %swap3A_191 = arith.index_cast %scan3A_124 : i32 to index
      %swap3A_192 = arith.constant 240 : index
      %swap3A_193 = tpu.vector_load %arg8[%swap3A_191, %swap3A_192] {strides = array<i32>} : memref<64x256xf32, #tpu.memory_space<vmem>>, vector<16xf32>,
      tpu.vector_store %arg8[%swap3A_191, %swap3A_192], %mul3A_190 {strides = array<i32>} : memref<64x256xf32, #tpu.memory_space<vmem>>, vector<16xf32>,
      %scan3A_194 = arith.constant 2 : i32
      %scan3A_195 = arith.addi %scan3A_55, %scan3A_194 : i32
      %broadcast_in_dim3A_196 = arith.constant 0 : i32
      %broadcast_in_dim3A_197 = vector.broadcast %broadcast_in_dim3A_196 : i32 to vector<16xi32>
      %add3A_198 = vector.broadcast %scan3A_195 : i32 to vector<16xi32>
      %add3A_199 = arith.addi %broadcast_in_dim3A_197, %add3A_198 : vector<16xi32>
      %gather3A_200 = tpu.vector_load_idx %arg7[%add3A_199] : memref<64xf32, #tpu.memory_space<vmem>>[vector<16xi32>], vector<16xf32>,
      %mul3A_201 = arith.mulf %gather3A_200, %scan3A_47#0 : vector<16xf32>
      %swap3A_202 = arith.index_cast %scan3A_195 : i32 to index
      %swap3A_203 = arith.constant 0 : index
      %swap3A_204 = tpu.vector_load %arg8[%swap3A_202, %swap3A_203] {strides = array<i32>} : memref<64x256xf32, #tpu.memory_space<vmem>>, vector<16xf32>,
      tpu.vector_store %arg8[%swap3A_202, %swap3A_203], %mul3A_201 {strides = array<i32>} : memref<64x256xf32, #tpu.memory_space<vmem>>, vector<16xf32>,
      %mul3A_205 = arith.mulf %gather3A_200, %scan3A_47#1 : vector<16xf32>
      %swap3A_206 = arith.index_cast %scan3A_195 : i32 to index
      %swap3A_207 = arith.constant 16 : index
      %swap3A_208 = tpu.vector_load %arg8[%swap3A_206, %swap3A_207] {strides = array<i32>} : memref<64x256xf32, #tpu.memory_space<vmem>>, vector<16xf32>,
      tpu.vector_store %arg8[%swap3A_206, %swap3A_207], %mul3A_205 {strides = array<i32>} : memref<64x256xf32, #tpu.memory_space<vmem>>, vector<16xf32>,
      %mul3A_209 = arith.mulf %gather3A_200, %scan3A_47#2 : vector<16xf32>
      %swap3A_210 = arith.index_cast %scan3A_195 : i32 to index
      %swap3A_211 = arith.constant 32 : index
      %swap3A_212 = tpu.vector_load %arg8[%swap3A_210, %swap3A_211] {strides = array<i32>} : memref<64x256xf32, #tpu.memory_space<vmem>>, vector<16xf32>,
      tpu.vector_store %arg8[%swap3A_210, %swap3A_211], %mul3A_209 {strides = array<i32>} : memref<64x256xf32, #tpu.memory_space<vmem>>, vector<16xf32>,
      %mul3A_213 = arith.mulf %gather3A_200, %scan3A_47#3 : vector<16xf32>
      %swap3A_214 = arith.index_cast %scan3A_195 : i32 to index
      %swap3A_215 = arith.constant 48 : index
      %swap3A_216 = tpu.vector_load %arg8[%swap3A_214, %swap3A_215] {strides = array<i32>} : memref<64x256xf32, #tpu.memory_space<vmem>>, vector<16xf32>,
      tpu.vector_store %arg8[%swap3A_214, %swap3A_215], %mul3A_213 {strides = array<i32>} : memref<64x256xf32, #tpu.memory_space<vmem>>, vector<16xf32>,
      %mul3A_217 = arith.mulf %gather3A_200, %scan3A_47#4 : vector<16xf32>
      %swap3A_218 = arith.index_cast %scan3A_195 : i32 to index
      %swap3A_219 = arith.constant 64 : index
      %swap3A_220 = tpu.vector_load %arg8[%swap3A_218, %swap3A_219] {strides = array<i32>} : memref<64x256xf32, #tpu.memory_space<vmem>>, vector<16xf32>,
      tpu.vector_store %arg8[%swap3A_218, %swap3A_219], %mul3A_217 {strides = array<i32>} : memref<64x256xf32, #tpu.memory_space<vmem>>, vector<16xf32>,
      %mul3A_221 = arith.mulf %gather3A_200, %scan3A_47#5 : vector<16xf32>
      %swap3A_222 = arith.index_cast %scan3A_195 : i32 to index
      %swap3A_223 = arith.constant 80 : index
      %swap3A_224 = tpu.vector_load %arg8[%swap3A_222, %swap3A_223] {strides = array<i32>} : memref<64x256xf32, #tpu.memory_space<vmem>>, vector<16xf32>,
      tpu.vector_store %arg8[%swap3A_222, %swap3A_223], %mul3A_221 {strides = array<i32>} : memref<64x256xf32, #tpu.memory_space<vmem>>, vector<16xf32>,
      %mul3A_225 = arith.mulf %gather3A_200, %scan3A_47#6 : vector<16xf32>
      %swap3A_226 = arith.index_cast %scan3A_195 : i32 to index
      %swap3A_227 = arith.constant 96 : index
      %swap3A_228 = tpu.vector_load %arg8[%swap3A_226, %swap3A_227] {strides = array<i32>} : memref<64x256xf32, #tpu.memory_space<vmem>>, vector<16xf32>,
      tpu.vector_store %arg8[%swap3A_226, %swap3A_227], %mul3A_225 {strides = array<i32>} : memref<64x256xf32, #tpu.memory_space<vmem>>, vector<16xf32>,
      %mul3A_229 = arith.mulf %gather3A_200, %scan3A_47#7 : vector<16xf32>
      %swap3A_230 = arith.index_cast %scan3A_195 : i32 to index
      %swap3A_231 = arith.constant 112 : index
      %swap3A_232 = tpu.vector_load %arg8[%swap3A_230, %swap3A_231] {strides = array<i32>} : memref<64x256xf32, #tpu.memory_space<vmem>>, vector<16xf32>,
      tpu.vector_store %arg8[%swap3A_230, %swap3A_231], %mul3A_229 {strides = array<i32>} : memref<64x256xf32, #tpu.memory_space<vmem>>, vector<16xf32>,
      %mul3A_233 = arith.mulf %gather3A_200, %scan3A_47#8 : vector<16xf32>
      %swap3A_234 = arith.index_cast %scan3A_195 : i32 to index
      %swap3A_235 = arith.constant 128 : index
      %swap3A_236 = tpu.vector_load %arg8[%swap3A_234, %swap3A_235] {strides = array<i32>} : memref<64x256xf32, #tpu.memory_space<vmem>>, vector<16xf32>,
      tpu.vector_store %arg8[%swap3A_234, %swap3A_235], %mul3A_233 {strides = array<i32>} : memref<64x256xf32, #tpu.memory_space<vmem>>, vector<16xf32>,
      %mul3A_237 = arith.mulf %gather3A_200, %scan3A_47#9 : vector<16xf32>
      %swap3A_238 = arith.index_cast %scan3A_195 : i32 to index
      %swap3A_239 = arith.constant 144 : index
      %swap3A_240 = tpu.vector_load %arg8[%swap3A_238, %swap3A_239] {strides = array<i32>} : memref<64x256xf32, #tpu.memory_space<vmem>>, vector<16xf32>,
      tpu.vector_store %arg8[%swap3A_238, %swap3A_239], %mul3A_237 {strides = array<i32>} : memref<64x256xf32, #tpu.memory_space<vmem>>, vector<16xf32>,
      %mul3A_241 = arith.mulf %gather3A_200, %scan3A_47#10 : vector<16xf32>
      %swap3A_242 = arith.index_cast %scan3A_195 : i32 to index
      %swap3A_243 = arith.constant 160 : index
      %swap3A_244 = tpu.vector_load %arg8[%swap3A_242, %swap3A_243] {strides = array<i32>} : memref<64x256xf32, #tpu.memory_space<vmem>>, vector<16xf32>,
      tpu.vector_store %arg8[%swap3A_242, %swap3A_243], %mul3A_241 {strides = array<i32>} : memref<64x256xf32, #tpu.memory_space<vmem>>, vector<16xf32>,
      %mul3A_245 = arith.mulf %gather3A_200, %scan3A_47#11 : vector<16xf32>
      %swap3A_246 = arith.index_cast %scan3A_195 : i32 to index
      %swap3A_247 = arith.constant 176 : index
      %swap3A_248 = tpu.vector_load %arg8[%swap3A_246, %swap3A_247] {strides = array<i32>} : memref<64x256xf32, #tpu.memory_space<vmem>>, vector<16xf32>,
      tpu.vector_store %arg8[%swap3A_246, %swap3A_247], %mul3A_245 {strides = array<i32>} : memref<64x256xf32, #tpu.memory_space<vmem>>, vector<16xf32>,
      %mul3A_249 = arith.mulf %gather3A_200, %scan3A_47#12 : vector<16xf32>
      %swap3A_250 = arith.index_cast %scan3A_195 : i32 to index
      %swap3A_251 = arith.constant 192 : index
      %swap3A_252 = tpu.vector_load %arg8[%swap3A_250, %swap3A_251] {strides = array<i32>} : memref<64x256xf32, #tpu.memory_space<vmem>>, vector<16xf32>,
      tpu.vector_store %arg8[%swap3A_250, %swap3A_251], %mul3A_249 {strides = array<i32>} : memref<64x256xf32, #tpu.memory_space<vmem>>, vector<16xf32>,
      %mul3A_253 = arith.mulf %gather3A_200, %scan3A_47#13 : vector<16xf32>
      %swap3A_254 = arith.index_cast %scan3A_195 : i32 to index
      %swap3A_255 = arith.constant 208 : index
      %swap3A_256 = tpu.vector_load %arg8[%swap3A_254, %swap3A_255] {strides = array<i32>} : memref<64x256xf32, #tpu.memory_space<vmem>>, vector<16xf32>,
      tpu.vector_store %arg8[%swap3A_254, %swap3A_255], %mul3A_253 {strides = array<i32>} : memref<64x256xf32, #tpu.memory_space<vmem>>, vector<16xf32>,
      %mul3A_257 = arith.mulf %gather3A_200, %scan3A_47#14 : vector<16xf32>
      %swap3A_258 = arith.index_cast %scan3A_195 : i32 to index
      %swap3A_259 = arith.constant 224 : index
      %swap3A_260 = tpu.vector_load %arg8[%swap3A_258, %swap3A_259] {strides = array<i32>} : memref<64x256xf32, #tpu.memory_space<vmem>>, vector<16xf32>,
      tpu.vector_store %arg8[%swap3A_258, %swap3A_259], %mul3A_257 {strides = array<i32>} : memref<64x256xf32, #tpu.memory_space<vmem>>, vector<16xf32>,
      %mul3A_261 = arith.mulf %gather3A_200, %scan3A_47#15 : vector<16xf32>
      %swap3A_262 = arith.index_cast %scan3A_195 : i32 to index
      %swap3A_263 = arith.constant 240 : index
      %swap3A_264 = tpu.vector_load %arg8[%swap3A_262, %swap3A_263] {strides = array<i32>} : memref<64x256xf32, #tpu.memory_space<vmem>>, vector<16xf32>,
      tpu.vector_store %arg8[%swap3A_262, %swap3A_263], %mul3A_261 {strides = array<i32>} : memref<64x256xf32, #tpu.memory_space<vmem>>, vector<16xf32>,
      %scan3A_265 = arith.constant 3 : i32
      %scan3A_266 = arith.addi %scan3A_55, %scan3A_265 : i32
      %broadcast_in_dim3A_267 = arith.constant 0 : i32
      %broadcast_in_dim3A_268 = vector.broadcast %broadcast_in_dim3A_267 : i32 to vector<16xi32>
      %add3A_269 = vector.broadcast %scan3A_266 : i32 to vector<16xi32>
      %add3A_270 = arith.addi %broadcast_in_dim3A_268, %add3A_269 : vector<16xi32>
      %gather3A_271 = tpu.vector_load_idx %arg7[%add3A_270] : memref<64xf32, #tpu.memory_space<vmem>>[vector<16xi32>], vector<16xf32>,
      %mul3A_272 = arith.mulf %gather3A_271, %scan3A_47#0 : vector<16xf32>
      %swap3A_273 = arith.index_cast %scan3A_266 : i32 to index
      %swap3A_274 = arith.constant 0 : index
      %swap3A_275 = tpu.vector_load %arg8[%swap3A_273, %swap3A_274] {strides = array<i32>} : memref<64x256xf32, #tpu.memory_space<vmem>>, vector<16xf32>,
      tpu.vector_store %arg8[%swap3A_273, %swap3A_274], %mul3A_272 {strides = array<i32>} : memref<64x256xf32, #tpu.memory_space<vmem>>, vector<16xf32>,
      %mul3A_276 = arith.mulf %gather3A_271, %scan3A_47#1 : vector<16xf32>
      %swap3A_277 = arith.index_cast %scan3A_266 : i32 to index
      %swap3A_278 = arith.constant 16 : index
      %swap3A_279 = tpu.vector_load %arg8[%swap3A_277, %swap3A_278] {strides = array<i32>} : memref<64x256xf32, #tpu.memory_space<vmem>>, vector<16xf32>,
      tpu.vector_store %arg8[%swap3A_277, %swap3A_278], %mul3A_276 {strides = array<i32>} : memref<64x256xf32, #tpu.memory_space<vmem>>, vector<16xf32>,
      %mul3A_280 = arith.mulf %gather3A_271, %scan3A_47#2 : vector<16xf32>
      %swap3A_281 = arith.index_cast %scan3A_266 : i32 to index
      %swap3A_282 = arith.constant 32 : index
      %swap3A_283 = tpu.vector_load %arg8[%swap3A_281, %swap3A_282] {strides = array<i32>} : memref<64x256xf32, #tpu.memory_space<vmem>>, vector<16xf32>,
      tpu.vector_store %arg8[%swap3A_281, %swap3A_282], %mul3A_280 {strides = array<i32>} : memref<64x256xf32, #tpu.memory_space<vmem>>, vector<16xf32>,
      %mul3A_284 = arith.mulf %gather3A_271, %scan3A_47#3 : vector<16xf32>
      %swap3A_285 = arith.index_cast %scan3A_266 : i32 to index
      %swap3A_286 = arith.constant 48 : index
      %swap3A_287 = tpu.vector_load %arg8[%swap3A_285, %swap3A_286] {strides = array<i32>} : memref<64x256xf32, #tpu.memory_space<vmem>>, vector<16xf32>,
      tpu.vector_store %arg8[%swap3A_285, %swap3A_286], %mul3A_284 {strides = array<i32>} : memref<64x256xf32, #tpu.memory_space<vmem>>, vector<16xf32>,
      %mul3A_288 = arith.mulf %gather3A_271, %scan3A_47#4 : vector<16xf32>
      %swap3A_289 = arith.index_cast %scan3A_266 : i32 to index
      %swap3A_290 = arith.constant 64 : index
      %swap3A_291 = tpu.vector_load %arg8[%swap3A_289, %swap3A_290] {strides = array<i32>} : memref<64x256xf32, #tpu.memory_space<vmem>>, vector<16xf32>,
      tpu.vector_store %arg8[%swap3A_289, %swap3A_290], %mul3A_288 {strides = array<i32>} : memref<64x256xf32, #tpu.memory_space<vmem>>, vector<16xf32>,
      %mul3A_292 = arith.mulf %gather3A_271, %scan3A_47#5 : vector<16xf32>
      %swap3A_293 = arith.index_cast %scan3A_266 : i32 to index
      %swap3A_294 = arith.constant 80 : index
      %swap3A_295 = tpu.vector_load %arg8[%swap3A_293, %swap3A_294] {strides = array<i32>} : memref<64x256xf32, #tpu.memory_space<vmem>>, vector<16xf32>,
      tpu.vector_store %arg8[%swap3A_293, %swap3A_294], %mul3A_292 {strides = array<i32>} : memref<64x256xf32, #tpu.memory_space<vmem>>, vector<16xf32>,
      %mul3A_296 = arith.mulf %gather3A_271, %scan3A_47#6 : vector<16xf32>
      %swap3A_297 = arith.index_cast %scan3A_266 : i32 to index
      %swap3A_298 = arith.constant 96 : index
      %swap3A_299 = tpu.vector_load %arg8[%swap3A_297, %swap3A_298] {strides = array<i32>} : memref<64x256xf32, #tpu.memory_space<vmem>>, vector<16xf32>,
      tpu.vector_store %arg8[%swap3A_297, %swap3A_298], %mul3A_296 {strides = array<i32>} : memref<64x256xf32, #tpu.memory_space<vmem>>, vector<16xf32>,
      %mul3A_300 = arith.mulf %gather3A_271, %scan3A_47#7 : vector<16xf32>
      %swap3A_301 = arith.index_cast %scan3A_266 : i32 to index
      %swap3A_302 = arith.constant 112 : index
      %swap3A_303 = tpu.vector_load %arg8[%swap3A_301, %swap3A_302] {strides = array<i32>} : memref<64x256xf32, #tpu.memory_space<vmem>>, vector<16xf32>,
      tpu.vector_store %arg8[%swap3A_301, %swap3A_302], %mul3A_300 {strides = array<i32>} : memref<64x256xf32, #tpu.memory_space<vmem>>, vector<16xf32>,
      %mul3A_304 = arith.mulf %gather3A_271, %scan3A_47#8 : vector<16xf32>
      %swap3A_305 = arith.index_cast %scan3A_266 : i32 to index
      %swap3A_306 = arith.constant 128 : index
      %swap3A_307 = tpu.vector_load %arg8[%swap3A_305, %swap3A_306] {strides = array<i32>} : memref<64x256xf32, #tpu.memory_space<vmem>>, vector<16xf32>,
      tpu.vector_store %arg8[%swap3A_305, %swap3A_306], %mul3A_304 {strides = array<i32>} : memref<64x256xf32, #tpu.memory_space<vmem>>, vector<16xf32>,
      %mul3A_308 = arith.mulf %gather3A_271, %scan3A_47#9 : vector<16xf32>
      %swap3A_309 = arith.index_cast %scan3A_266 : i32 to index
      %swap3A_310 = arith.constant 144 : index
      %swap3A_311 = tpu.vector_load %arg8[%swap3A_309, %swap3A_310] {strides = array<i32>} : memref<64x256xf32, #tpu.memory_space<vmem>>, vector<16xf32>,
      tpu.vector_store %arg8[%swap3A_309, %swap3A_310], %mul3A_308 {strides = array<i32>} : memref<64x256xf32, #tpu.memory_space<vmem>>, vector<16xf32>,
      %mul3A_312 = arith.mulf %gather3A_271, %scan3A_47#10 : vector<16xf32>
      %swap3A_313 = arith.index_cast %scan3A_266 : i32 to index
      %swap3A_314 = arith.constant 160 : index
      %swap3A_315 = tpu.vector_load %arg8[%swap3A_313, %swap3A_314] {strides = array<i32>} : memref<64x256xf32, #tpu.memory_space<vmem>>, vector<16xf32>,
      tpu.vector_store %arg8[%swap3A_313, %swap3A_314], %mul3A_312 {strides = array<i32>} : memref<64x256xf32, #tpu.memory_space<vmem>>, vector<16xf32>,
      %mul3A_316 = arith.mulf %gather3A_271, %scan3A_47#11 : vector<16xf32>
      %swap3A_317 = arith.index_cast %scan3A_266 : i32 to index
      %swap3A_318 = arith.constant 176 : index
      %swap3A_319 = tpu.vector_load %arg8[%swap3A_317, %swap3A_318] {strides = array<i32>} : memref<64x256xf32, #tpu.memory_space<vmem>>, vector<16xf32>,
      tpu.vector_store %arg8[%swap3A_317, %swap3A_318], %mul3A_316 {strides = array<i32>} : memref<64x256xf32, #tpu.memory_space<vmem>>, vector<16xf32>,
      %mul3A_320 = arith.mulf %gather3A_271, %scan3A_47#12 : vector<16xf32>
      %swap3A_321 = arith.index_cast %scan3A_266 : i32 to index
      %swap3A_322 = arith.constant 192 : index
      %swap3A_323 = tpu.vector_load %arg8[%swap3A_321, %swap3A_322] {strides = array<i32>} : memref<64x256xf32, #tpu.memory_space<vmem>>, vector<16xf32>,
      tpu.vector_store %arg8[%swap3A_321, %swap3A_322], %mul3A_320 {strides = array<i32>} : memref<64x256xf32, #tpu.memory_space<vmem>>, vector<16xf32>,
      %mul3A_324 = arith.mulf %gather3A_271, %scan3A_47#13 : vector<16xf32>
      %swap3A_325 = arith.index_cast %scan3A_266 : i32 to index
      %swap3A_326 = arith.constant 208 : index
      %swap3A_327 = tpu.vector_load %arg8[%swap3A_325, %swap3A_326] {strides = array<i32>} : memref<64x256xf32, #tpu.memory_space<vmem>>, vector<16xf32>,
      tpu.vector_store %arg8[%swap3A_325, %swap3A_326], %mul3A_324 {strides = array<i32>} : memref<64x256xf32, #tpu.memory_space<vmem>>, vector<16xf32>,
      %mul3A_328 = arith.mulf %gather3A_271, %scan3A_47#14 : vector<16xf32>
      %swap3A_329 = arith.index_cast %scan3A_266 : i32 to index
      %swap3A_330 = arith.constant 224 : index
      %swap3A_331 = tpu.vector_load %arg8[%swap3A_329, %swap3A_330] {strides = array<i32>} : memref<64x256xf32, #tpu.memory_space<vmem>>, vector<16xf32>,
      tpu.vector_store %arg8[%swap3A_329, %swap3A_330], %mul3A_328 {strides = array<i32>} : memref<64x256xf32, #tpu.memory_space<vmem>>, vector<16xf32>,
      %mul3A_332 = arith.mulf %gather3A_271, %scan3A_47#15 : vector<16xf32>
      %swap3A_333 = arith.index_cast %scan3A_266 : i32 to index
      %swap3A_334 = arith.constant 240 : index
      %swap3A_335 = tpu.vector_load %arg8[%swap3A_333, %swap3A_334] {strides = array<i32>} : memref<64x256xf32, #tpu.memory_space<vmem>>, vector<16xf32>,
      tpu.vector_store %arg8[%swap3A_333, %swap3A_334], %mul3A_332 {strides = array<i32>} : memref<64x256xf32, #tpu.memory_space<vmem>>, vector<16xf32>,
    }
    %scan3A_54 = arith.constant 64 : i32
    "tpu.region"() ({
      %run_scoped3A = tpu.sem_alloc : memref<!tpu.dma_semaphore, #tpu.memory_space<semaphore_mem>>
      %dma_start3A_55 = arith.constant 0 : i32
      %dma_start3A_56 = tpu.memref_slice %arg4[%dma_start3A_55, %mul3A_2] : memref<64x4096xf32, #tpu.memory_space<hbm>> -> memref<64x256xf32, #tpu.memory_space<hbm>>
      %dma_start3A_57 = arith.constant 0 : i32
      %dma_start3A_58 = tpu.memref_slice %arg4[%dma_start3A_57, %mul3A_2] : memref<64x4096xf32, #tpu.memory_space<hbm>> -> memref<64x256xf32, #tpu.memory_space<hbm>>
      tpu.enqueue_dma source(%arg8 : memref<64x256xf32, #tpu.memory_space<vmem>>) target(%dma_start3A_58 : memref<64x256xf32, #tpu.memory_space<hbm>>) target_semaphore(%run_scoped3A : memref<!tpu.dma_semaphore, #tpu.memory_space<semaphore_mem>>)
      %dma_wait3A_59 = arith.constant 0 : i32
      %dma_wait3A_60 = tpu.memref_slice %arg4[%dma_wait3A_59, %mul3A_2] : memref<64x4096xf32, #tpu.memory_space<hbm>> -> memref<64x256xf32, #tpu.memory_space<hbm>>
      %dma_wait3A_61 = arith.constant 0 : i32
      %dma_wait3A_62 = tpu.memref_slice %arg4[%dma_wait3A_61, %mul3A_2] : memref<64x4096xf32, #tpu.memory_space<hbm>> -> memref<64x256xf32, #tpu.memory_space<hbm>>
      tpu.wait_dma2 semaphore(%run_scoped3A : memref<!tpu.dma_semaphore, #tpu.memory_space<semaphore_mem>>) src(%arg8 : memref<64x256xf32, #tpu.memory_space<vmem>>) dst(%dma_wait3A_62 : memref<64x256xf32, #tpu.memory_space<hbm>>)
      tpu.yield
    }) : () -> ()
    return
  }
}

</mosaic_0001>

<sc_bundles>
// kernel: kernel.3.cloned.1.call-start
scs
__scs_entry_jumppad:
0x0: {  	(pc) =	sbr.rel $0x88, $3  }
0x1: {  	(tag) =	ssettag $0x0;
	lr =	simm.s32 $0x1  }
0x2: {  	[smem:$0x3F9F] =	sst lr;
	_ =	strace $0xD0000000  }
0x3: {  	_ = 	snop  }
0x4: {  	_ = 	snop  }
0x5: {  	_ = 	snop  }
0x6: {  	_ = 	snop  }
0x7: {  	_ = 	snop  }
__scs_overlays_trampoline_lowered:
0x8: {  	[smem:$0x3FAE] =	sst s0  }
0x9: {  	[smem:$0x3FAF] =	sst s1  }
0xa: {  	[smem:$0x3FB0] =	sst s2  }
0xb: {  	[smem:$0x3FB1] =	sst s3  }
0xc: {  	[smem:$0x3FB2] =	sst s4  }
0xd: {  	[smem:$0x3FB3] =	sst s5  }
0xe: {  	[smem:$0x3FB4] =	sst s6  }
0xf: {  	[smem:$0x3FB5] =	sst s7  }
0x10: {  	[smem:$0x3FB6] =	sst s8  }
0x11: {  	[smem:$0x3FB7] =	sst s9;
	s0 =	simm.s32 @!p0 $0x0  }
0x12: {  	s1 =	sld [smem:$0x3F9D];
	s0 =	simm.s32 @p0 $0x1  }
0x13: {  	[smem:$0x3FB8] =	sst s0;
	s0 =	simm.s32 @!p1 $0x0  }
0x14: {  	s2 =	sld [smem:$0x3F9C];
	s0 =	simm.s32 @p1 $0x1  }
0x15: {  	[smem:$0x3FB9] =	sst s0;
	s0 =	simm.s32 @!p2 $0x0  }
0x16: {  	s3 =	sld [smem:$0x3FDB];
	s0 =	simm.s32 @p2 $0x1  }
0x17: {  	s4 =	simm.s32 $0x1BF5;
	[smem:$0x3FBB] =	sst s0  }
0x18: {  	s0 =	sld [smem:$0x3F9E];
	_ =	swait.ge [sflag:s4], $0x0  }
0x19: {  	s7 =	sld [smem:$0x3F9F]  }
0x1a: {  	s8 =	sadd.s32 $0xFFFFE003, lr  }
0x1b: {  	s9 =	sadd.s32 $0xFFFFFEF7, lr;
	s5 =	simm.s32 $0xFFFFFFFF;
	p2 =	slt.u32 s8, $0xFFFFF086  }
0x1c: {  	p1 =	slt.u32 s9, $0xF7A;
	s5 =	simm.s32 @!p2 $0x0  }
0x1d: {  	s5 =	simm.s32 @p1 $0x1;
	p0 =	seq.s32 s7, s2  }
0x1e: {  	s7 =	smul.u32 @!p0 $0xF7A, s2;
	p2 =	seq.s32 @!p0 s5, $0x0  }
0x1f: {  	s9 =	smul.u32 $0xF7A, s1;
	s8 =	simm.s32 @!p0 $0x1BF5;
	p2 =	por !p2, p0  }
0x20: {  	[sflag:s8] =	ssyncset.s32 @!p0 $0xFFFFF086;
	s6 =	sadd.s32 @!p0 s3, s7;
	s7 =	simm.s32 @!p0 $0x108  }
0x21: {  	s3 =	sadd.s32 s3, s9;
	s6 =	sadd.s32 @!p0 $0x88, s6;
	s7 =	simm.s32 @p2 $0x1082  }
0x22: {  	[simem:s7], [sflag:s8] =	dma.local @!p0 [hbm:s6], $0xF7A  }
0x23: {  	s9 =	sor.u32 $0xD0000000, s2;
	s6 =	simm.s32 $0x108;
	_ =	swait.ge @!p0 [sflag:s8], $0x0  }
0x24: {  	s3 =	sadd.s32 $0x88, s3;
	s6 =	simm.s32 @!p1 $0x1082;
	[sflag:s4] =	ssyncset.s32 $0xFFFFF086  }
0x25: {  	[simem:s6], [sflag:s4] =	dma.local [hbm:s3], $0xF7A  }
0x26: {  	[smem:$0x3F9F] =	sst s1;
	(tag) =	ssettag s2;
	_ =	strace s9  }
0x27: {  	s1 =	sld [smem:$0x3FAF]  }
0x28: {  	s2 =	sld [smem:$0x3FB0]  }
0x29: {  	s4 =	sld [smem:$0x3FB2]  }
0x2a: {  	p0 =	seq.s32 s5, $0x0;
	s5 =	sld [smem:$0x3FB3]  }
0x2b: {  	s6 =	sld [smem:$0x3FB4]  }
0x2c: {  	s7 =	sld [smem:$0x3FB5]  }
0x2d: {  	s3 =	simm.s32 $0x108;
	s8 =	sld [smem:$0x3FB6]  }
0x2e: {  	s3 =	simm.s32 @!p0 $0x1082;
	s9 =	sld [smem:$0x3FB7]  }
0x2f: {  	lr =	sadd.s32 s0, s3;
	s0 =	sld [smem:$0x3FAE]  }
0x30: {  	s3 =	sld [smem:$0x3FB1]  }
0x31: {  	[smem:$0x3FBA] =	sst s10  }
0x32: {  	s10 =	sld [smem:$0x3FB8];
	_ =	sdelay $0x3  }
0x33: {  	p0 =	seq.s32 s10, $0x1;
	s10 =	sld [smem:$0x3FBA];
	_ =	sdelay $0x3  }
0x34: {  	[smem:$0x3FBA] =	sst s10  }
0x35: {  	s10 =	sld [smem:$0x3FB9];
	_ =	sdelay $0x3  }
0x36: {  	p1 =	seq.s32 s10, $0x1;
	s10 =	sld [smem:$0x3FBA];
	_ =	sdelay $0x3  }
0x37: {  	[smem:$0x3FBA] =	sst s10  }
0x38: {  	s10 =	sld [smem:$0x3FBB]  }
0x39: {  	_ = 	snop;
	(pc) =	sbr.ind lr, $3  }
0x3a: {  	_ = 	snop  }
0x3b: {  	_ = 	snop  }
0x3c: {  	p2 =	seq.s32 s10, $0x1;
	s10 =	sld [smem:$0x3FBA]  }
0x3d: {  	_ =	shalt  }
0x3e: {  	_ =	shalt  }
0x3f: {  	_ =	shalt  }
0x40: {  	_ =	shalt  }
0x41: {  	_ =	shalt  }
0x42: {  	_ =	shalt  }
0x43: {  	_ =	shalt  }
0x44: {  	_ =	shalt  }
0x45: {  	_ =	shalt  }
0x46: {  	_ =	shalt  }
0x47: {  	_ =	shalt  }
0x48: {  	_ =	shalt  }
0x49: {  	_ =	shalt  }
0x4a: {  	_ =	shalt  }
0x4b: {  	_ =	shalt  }
0x4c: {  	_ =	shalt  }
0x4d: {  	_ =	shalt  }
0x4e: {  	_ =	shalt  }
0x4f: {  	_ =	shalt  }
0x50: {  	_ =	shalt  }
0x51: {  	_ =	shalt  }
0x52: {  	_ =	shalt  }
0x53: {  	_ =	shalt  }
0x54: {  	_ =	shalt  }
0x55: {  	_ =	shalt  }
0x56: {  	_ =	shalt  }
0x57: {  	_ =	shalt  }
0x58: {  	_ =	shalt  }
0x59: {  	_ =	shalt  }
0x5a: {  	_ =	shalt  }
0x5b: {  	_ =	shalt  }
0x5c: {  	_ =	shalt  }
0x5d: {  	_ =	shalt  }
0x5e: {  	_ =	shalt  }
0x5f: {  	_ =	shalt  }
0x60: {  	_ =	shalt  }
0x61: {  	_ =	shalt  }
0x62: {  	_ =	shalt  }
0x63: {  	_ =	shalt  }
0x64: {  	_ =	shalt  }
0x65: {  	_ =	shalt  }
0x66: {  	_ =	shalt  }
0x67: {  	_ =	shalt  }
0x68: {  	_ =	shalt  }
0x69: {  	_ =	shalt  }
0x6a: {  	_ =	shalt  }
0x6b: {  	_ =	shalt  }
0x6c: {  	_ =	shalt  }
0x6d: {  	_ =	shalt  }
0x6e: {  	_ =	shalt  }
0x6f: {  	_ =	shalt  }
0x70: {  	_ =	shalt  }
0x71: {  	_ =	shalt  }
0x72: {  	_ =	shalt  }
0x73: {  	_ =	shalt  }
0x74: {  	_ =	shalt  }
0x75: {  	_ =	shalt  }
0x76: {  	_ =	shalt  }
0x77: {  	_ =	shalt  }
0x78: {  	_ =	shalt  }
0x79: {  	_ =	shalt  }
0x7a: {  	_ =	shalt  }
0x7b: {  	_ =	shalt  }
0x7c: {  	_ =	shalt  }
0x7d: {  	_ =	shalt  }
0x7e: {  	_ =	shalt  }
0x7f: {  	_ =	shalt  }
0x80: {  	_ =	shalt  }
0x81: {  	_ =	shalt  }
0x82: {  	_ =	shalt  }
0x83: {  	_ =	shalt  }
0x84: {  	_ =	shalt  }
0x85: {  	_ =	shalt  }
0x86: {  	_ =	shalt  }
0x87: {  	_ =	shalt  }
.Lfunc_end0:
.L_simem_size_0:
called_computation_lowered:
.L_overlay_start_0:
0x88: {  	s0 =	sld [smem:$0x3FD9]  }
0x89: {  	s1 =	sld [smem:$0x3FFE];
	_ =	sdelay $0x3  }
0x8a: {  	s0 =	sadd.s32 s1, s0  }
0x8b: {  	[smem:$0x3FC6] =	sst s0  }
0x8c: {  	_ = 	snop  }
0x8d: {  	s0 =	sld [smem:$0x3FC9]  }
0x8e: {  	s17 =	sld [smem:$0x3FC8]  }
0x8f: {  	s2 =	sld [smem:$0x3FD0];
	(tm) =	ssettm $0x1  }
0x90: {  	s3 =	sld [smem:$0x3FFB];
	_ =	sdelay $0x3  }
0x91: {  	_ =	strace s3  }
0x92: {  	s3 =	sld [smem:$0x3FFC];
	_ =	sdelay $0x3  }
0x93: {  	_ =	strace s3  }
0x94: {  	s3 =	sld [smem:$0x3FFD];
	_ =	sdelay $0x3  }
0x95: {  	_ =	strace s3  }
0x96: {  	_ =	strace $0x8FFFFFFF  }
0x97: {  	s18 =	sld [smem:$0x3FDB];
	_ =	sdelay $0x1  }
0x98: {  	s4 =	simm.s32 $_scs_section_size  }
0x99: {  	s5 =	simm.s32 $_size__tile_overlayer_lowered;
	s6 =	simm.s32 $_tile_overlayer_lowered  }
0x9a: {  	s21 =	simm.s32 $0x1BFF;
	s20 =	sshll.u32 s6, $0x1;
	s3 =	sadd.s32 s4, s18  }
0x9b: {  	s7 =	simm.s32 $0x0;
	s19 =	sshll.u32 s5, $0x1;
	s5 =	sadd.s32 s20, s3  }
0x9c: {  	[timem:s7], [sflag:s21] =	dma.local [hbm:s5], s19  }
0x9d: {  	_ =	swait.ge [sflag:s21], s19  }
0x9e: {  	s4 =	ssub.s32 $0x0, s19;
	[sflag:s21] =	ssyncset.done $0x0  }
0x9f: {  	[sflag:s21] =	ssyncadd.s32 s4;
	_ =	sdelay $0x1  }
0xa0: {  	s22 =	simm.s32 $0x1B8B  }
0xa1: {  	_ =	swait.ge [sflag:s22], $0x1  }
0xa2: {  	[sflag:s22] =	ssyncset.done $0x0  }
0xa3: {  	s23 =	simm.s32 $0x1B8E;
	[sflag:s22] =	ssyncadd.s32 $0xFFFFFFFF  }
0xa4: {  	s24 =	simm.s32 $execute0_lowered;
	[smem:$0x3FD2] =	sst s23  }
0xa5: {  	s4 =	sshll.u32 s24, $0x1;
	_ =	strace $0x80000046;
	[dreg:$0x1] =	wrdreg $0xFFFFFFFF  }
0xa6: {  	s25 =	simm.s32 $_size_execute0_lowered;
	s3 =	sadd.s32 s3, s4;
	[dreg:$0x0] =	wrdreg $0x0  }
0xa7: {  	s4 =	sshll.u32 s25, $0x1;
	[dreg:$0x2] =	wrdreg s3  }
0xa8: {  	[dreg:$0x3] =	wrdreg s4  }
0xa9: {  	[dreg:$0x4] =	wrdreg $0xC0  }
0xaa: {  	_ =	task [dreg:s7], $0x5FFFF  }
0xab: {  	[dreg:$0x1] =	wrdreg $0xFFFFFFFF  }
0xac: {  	[dreg:$0x0] =	wrdreg $0x60  }
0xad: {  	[dreg:$0x2] =	wrdreg s0  }
0xae: {  	[dreg:$0x3] =	wrdreg s17  }
0xaf: {  	[dreg:$0x4] =	wrdreg s2  }
0xb0: {  	[dreg:$0x5] =	wrdreg $0x98800  }
0xb1: {  	[dreg:$0x6] =	wrdreg $0x9  }
0xb2: {  	_ =	task.clear_ibuf [dreg:s7], $0x7FFFF;
	_ =	strace $0x90000046  }
0xb3: {  	s26 =	simm.s32 $0x9;
	_ =	strace $0x80000048  }
0xb4: {  	_ =	swait.ge [sflag:s26], $0x1  }
0xb5: {  	[sflag:s26] =	ssyncadd.s32 $0xFFFFFFFF  }
0xb6: {  	_ =	strace $0x90000048  }
0xb7: {  	_ =	sfence  }
0xb8: {  	s28 =	sld [smem:$0x0];
	_ =	sdelay $0x1  }
0xb9: {  	s29 =	srdreg.scid  }
0xba: {  	s30 =	sshll.u32 s29, $0xD;
	s31 =	sshrl.u32 s29, $0x2  }
0xbb: {  	s1 =	sand.u32 $0x1, s29;
	s2 =	sand.u32 $0x4000, s30;
	s0 =	sadd.s32 s31, s28  }
0xbc: {  	s1 =	sor.u32 s2, s1;
	s0 =	sshll.u32 s0, $0x11  }
0xbd: {  	s0 =	sor.u32 s0, s1  }
0xbe: {  	s0 =	sadd.s32 $0x8F2B, s0  }
0xbf: {  	[sflag:s0] =	ssyncadd.remote.s32 $0x1  }
0xc0: {  	_ =	sfence.sel $0xFFFF  }
0xc1: {  	[dreg:$0x0] =	wrdreg $0xFFFFFFFF;
	(pc) =	sbr.abs _section_cstart, $3  }
0xc2: {  	[dreg:$0x1] =	wrdreg $0xFFFFFFFF  }
0xc3: {  	_ =	task.clear_ibuf [dreg:s7], $0x2FFFF;
	_ =	strace $0x9FFFFFFF  }
0xc4: {  	(tm) =	ssettm $0x7FFFFFFF  }
0xc5: {  	_ =	shalt  }
tec
execute0_lowered:
.L_overlay_start_1:
0x0: {  	(tag) =	ssettag $0x1  }
0x1: {  	s2 =	rddreg [dreg:$0x0]  }
0x2: {  	s5 =	rddreg [dreg:$0x1]  }
0x3: {  	s1 =	rddreg [dreg:$0x2]  }
0x4: {  	s3 =	rddreg [dreg:$0x3]  }
0x5: {  	s0 =	rddreg [dreg:$0x4]  }
0x6: {  	s6 =	simm.s32 $0x0;
	s7 =	stileid.u32;
	s20 =	simm.s32 $0x800  }
0x7: {  	s8 =	simm.s32 $0x8000;
	[smem:$0x7FF] =	sst s6;
	s4 =	sshll.u32 s7, $0x8  }
0x8: {  	p0 =	sne.s32 s7, $0x0;
	_ =	strace $0x80000047;
	s2 =	sadd.s32 s2, s4  }
0x9: {  	v0 =	vlaneseq.u32 @!p0;
	[tilespmem:s6], [sflag:$0x1] =	stream.strided.gather [hbm4b:s2+s20], $0x3800, s8, s20, $0x38;
	[tilespmem:$0x9888] =	vst v63  }
0xa: {  	s7 =	simm.s32 @!p0 $0x3800;
	s2 =	simm.s32 @!p0 $0x400;
	s6 =	simm.s32 @!p0 $0x2000;
	v0 =	vmul.u32 @!p0 $0x80, v0  }
0xb: {  	[tilespmem:s7], [sflag:$0x2] =	stream.strided.gather @!p0 [hbm4b:s5+s2], $0x2000, s6, s2, $0x38;
	[tilespmem:$0x9888] =	vst v63  }
0xc: {  	s2 =	simm.s32 @!p0 $0x2  }
0xd: {  	_ =	swait.ge @!p0 [sflag:s2], $0x2000  }
0xe: {  	[sflag:s2] =	ssyncset.done @!p0 $0x0  }
0xf: {  	[sflag:s2] =	ssyncadd.s32 @!p0 $0xFFFFE000  }
0x10: {  	v1 =	vld.idx.msk @!p0 [tilespmem:v0+s7+$0x0], $0xffff  }
0x11: {  	v2 =	vor.u32 @!p0 $0x800, v0;
	_ =	sdelay $0x3  }
0x12: {  	[tilespmem:$0x5800] =	vst @!p0 v1  }
0x13: {  	v1 =	vld.idx.msk @!p0 [tilespmem:v2+s7+$0x0], $0xffff  }
0x14: {  	v2 =	vor.u32 @!p0 $0x1000, v0;
	_ =	sdelay $0x3  }
0x15: {  	[tilespmem:$0x5810] =	vst @!p0 v1  }
0x16: {  	v1 =	vld.idx.msk @!p0 [tilespmem:v2+s7+$0x0], $0xffff  }
0x17: {  	v0 =	vor.u32 @!p0 $0x1800, v0;
	_ =	sdelay $0x3  }
0x18: {  	[tilespmem:$0x5820] =	vst @!p0 v1  }
0x19: {  	v0 =	vld.idx.msk @!p0 [tilespmem:v0+s7+$0x0], $0xffff;
	_ =	sdelay $0x4  }
0x1a: {  	s2 =	simm.s32 @!p0 $0x5800;
	[tilespmem:$0x5830] =	vst @!p0 v0  }
0x1b: {  	[spmem:s3] =	stream.linear.scatter @!p0 [tilespmem:s2], [sflag:$0x3], $0x80, $0x38;
	[tilespmem:$0x9888] =	vst v63  }
0x1c: {  	s2 =	simm.s32 @!p0 $0x3  }
0x1d: {  	_ =	swait.ge @!p0 [sflag:s2], $0x80  }
0x1e: {  	[sflag:s2] =	ssyncset.done @!p0 $0x0  }
0x1f: {  	s21 =	simm.s32 $0x1;
	[sflag:s2] =	ssyncadd.s32 @!p0 $0xFFFFFF80  }
0x20: {  	s22 =	simm.s32 $0x200;
	s23 =	simm.s32 $0x400;
	_ =	swait.ge [sflag:s21], $0x3800  }
0x21: {  	s6 =	sand.u32 $0x7800, s23;
	s5 =	sand.u32 $0x380, s22;
	[sflag:s21] =	ssyncset.done $0x0  }
0x22: {  	s2 =	sor.u32 s5, s6;
	[sflag:s21] =	ssyncadd.s32 $0xFFFFC800  }
0x23: {  	v0 =	vld [tilespmem:s2+$0x0]  }
0x24: {  	v1 =	vld [tilespmem:s2+$0x10]  }
0x25: {  	v3 =	vld [tilespmem:s2+$0x20]  }
0x26: {  	v4 =	vld [tilespmem:s2+$0x30]  }
0x27: {  	v5 =	vld [tilespmem:s2+$0x40]  }
0x28: {  	v6 =	vld [tilespmem:s2+$0x50]  }
0x29: {  	v7 =	vld [tilespmem:s2+$0x60]  }
0x2a: {  	v11 =	vld [tilespmem:s2+$0x70]  }
0x2b: {  	v9 =	vld [tilespmem:s2+$0x400]  }
0x2c: {  	v10 =	vld [tilespmem:s2+$0x410]  }
0x2d: {  	v8 =	vld [tilespmem:s2+$0x420]  }
0x2e: {  	s24 =	simm.s32 $0x300;
	s25 =	simm.s32 $0x180;
	v16 =	vld [tilespmem:s2+$0x430]  }
0x2f: {  	s5 =	sand.u32 $0x7800, s24;
	s6 =	sand.u32 $0x380, s25;
	v12 =	vld [tilespmem:s2+$0x440]  }
0x30: {  	s5 =	sor.u32 s6, s5;
	v13 =	vld [tilespmem:s2+$0x450]  }
0x31: {  	v2 =	vld [tilespmem:s5+$0x0]  }
0x32: {  	v17 =	vld [tilespmem:s5+$0x10]  }
0x33: {  	v18 =	vld [tilespmem:s5+$0x20]  }
0x34: {  	v19 =	vld [tilespmem:s5+$0x30]  }
0x35: {  	v20 =	vld [tilespmem:s5+$0x40]  }
0x36: {  	v21 =	vld [tilespmem:s5+$0x50]  }
0x37: {  	v22 =	vld [tilespmem:s5+$0x60]  }
0x38: {  	v23 =	vld [tilespmem:s5+$0x70]  }
0x39: {  	v26 =	vld [tilespmem:s5+$0x400]  }
0x3a: {  	v27 =	vld [tilespmem:s5+$0x410]  }
0x3b: {  	v28 =	vld [tilespmem:s5+$0x420]  }
0x3c: {  	s26 =	simm.s32 $0x200;
	s28 =	simm.s32 $0x100;
	v29 =	vld [tilespmem:s5+$0x430]  }
0x3d: {  	s7 =	sand.u32 $0x380, s28;
	s6 =	sand.u32 $0x7800, s26;
	v14 =	vld [tilespmem:s5+$0x440]  }
0x3e: {  	s6 =	sor.u32 s7, s6;
	v15 =	vld [tilespmem:s5+$0x450]  }
0x3f: {  	v24 =	vld [tilespmem:s6+$0x0]  }
0x40: {  	v25 =	vld [tilespmem:s6+$0x10]  }
0x41: {  	v30 =	vld [tilespmem:s6+$0x20]  }
0x42: {  	v31 =	vld [tilespmem:s6+$0x30]  }
0x43: {  	v32 =	vld [tilespmem:s6+$0x40]  }
0x44: {  	s29 =	simm.s32 $0x100;
	s30 =	simm.s32 $0x80;
	v33 =	vld [tilespmem:s6+$0x50]  }
0x45: {  	s8 =	sand.u32 $0x380, s30;
	s7 =	sand.u32 $0x7800, s29;
	v34 =	vld [tilespmem:s6+$0x60]  }
0x46: {  	s9 =	simm.s32 $0x0;
	s31 =	simm.s32 $0x0;
	s7 =	sor.u32 s8, s7;
	v35 =	vld [tilespmem:s6+$0x70]  }
0x47: {  	s9 =	sand.u32 $0x3800, s9;
	s8 =	sand.u32 $0x380, s31;
	v36 =	vld [tilespmem:s7+$0x0]  }
0x48: {  	s8 =	sor.u32 s8, s9;
	v37 =	vld [tilespmem:s7+$0x10]  }
0x49: {  	v38 =	vld [tilespmem:s8+$0x0]  }
0x4a: {  	v39 =	vld [tilespmem:s8+$0x10]  }
0x4b: {  	v40 =	vld [tilespmem:s8+$0x20]  }
0x4c: {  	v41 =	vld [tilespmem:s8+$0x30]  }
0x4d: {  	v42 =	vld [tilespmem:s7+$0x20]  }
0x4e: {  	v43 =	vld [tilespmem:s7+$0x30]  }
0x4f: {  	v44 =	vimm.f32 $0.0e+00;
	v45 =	vld [tilespmem:s6+$0x400]  }
0x50: {  	v46 =	vld [tilespmem:s6+$0x410];
	v38 =	vadd.f32 v38, v44;
	v39 =	vadd.f32 v39, v44  }
0x51: {  	v47 =	vld [tilespmem:s7+$0x40];
	v40 =	vadd.f32 v40, v44;
	v41 =	vadd.f32 v41, v44  }
0x52: {  	v63 =	vld [tilespmem:s7+$0x50];
	v36 =	vadd.f32 v36, v38;
	v37 =	vadd.f32 v37, v39  }
0x53: {  	v48 =	vld [tilespmem:s8+$0x40];
	v40 =	vadd.f32 v42, v40;
	v41 =	vadd.f32 v43, v41  }
0x54: {  	v49 =	vld [tilespmem:s8+$0x50];
	v24 =	vadd.f32 v24, v36;
	v25 =	vadd.f32 v25, v37  }
0x55: {  	v50 =	vld [tilespmem:s8+$0x60];
	v30 =	vadd.f32 v30, v40;
	v31 =	vadd.f32 v31, v41  }
0x56: {  	v51 =	vld [tilespmem:s8+$0x70];
	v2 =	vadd.f32 v2, v24;
	v17 =	vadd.f32 v17, v25  }
0x57: {  	v24 =	vld [tilespmem:s7+$0x60];
	v18 =	vadd.f32 v18, v30;
	v19 =	vadd.f32 v19, v31  }
0x58: {  	v25 =	vld [tilespmem:s7+$0x70];
	v2 =	vadd.f32 v0, v2;
	v0 =	vadd.f32 v1, v17  }
0x59: {  	v54 =	vld [tilespmem:s7+$0x400];
	v1 =	vadd.f32 v3, v18;
	v3 =	vadd.f32 v4, v19  }
0x5a: {  	v55 =	vld [tilespmem:s7+$0x410];
	v4 =	vadd.f32 v48, v44;
	v18 =	vadd.f32 v49, v44  }
0x5b: {  	v60 =	vld [tilespmem:s7+$0x440];
	v52 =	vadd.f32 v50, v44;
	v53 =	vadd.f32 v51, v44  }
0x5c: {  	v61 =	vld [tilespmem:s7+$0x450];
	v4 =	vadd.f32 v47, v4;
	v18 =	vadd.f32 v63, v18  }
0x5d: {  	v56 =	vld [tilespmem:s8+$0x400];
	v24 =	vadd.f32 v24, v52;
	v25 =	vadd.f32 v25, v53  }
0x5e: {  	v57 =	vld [tilespmem:s8+$0x410];
	v4 =	vadd.f32 v32, v4;
	v18 =	vadd.f32 v33, v18  }
0x5f: {  	v58 =	vld [tilespmem:s8+$0x420];
	v24 =	vadd.f32 v34, v24;
	v25 =	vadd.f32 v35, v25  }
0x60: {  	v59 =	vld [tilespmem:s8+$0x430];
	v4 =	vadd.f32 v20, v4;
	v18 =	vadd.f32 v21, v18  }
0x61: {  	v20 =	vld [tilespmem:s7+$0x420];
	v21 =	vadd.f32 v22, v24;
	v22 =	vadd.f32 v23, v25  }
0x62: {  	v23 =	vld [tilespmem:s7+$0x430];
	v4 =	vadd.f32 v5, v4;
	v6 =	vadd.f32 v6, v18  }
0x63: {  	v17 =	vld [tilespmem:s6+$0x420];
	v18 =	vadd.f32 v57, v44;
	v5 =	vadd.f32 v7, v21  }
0x64: {  	v19 =	vld [tilespmem:s6+$0x430];
	v7 =	vadd.f32 v11, v22;
	v11 =	vadd.f32 v56, v44  }
0x65: {  	v62 =	vld [tilespmem:s8+$0x440];
	v21 =	vadd.f32 v58, v44;
	v22 =	vadd.f32 v59, v44  }
0x66: {  	v63 =	vld [tilespmem:s8+$0x470];
	v18 =	vadd.f32 v55, v18;
	v11 =	vadd.f32 v54, v11  }
0x67: {  	v24 =	vld [tilespmem:s6+$0x440];
	v20 =	vadd.f32 v20, v21;
	v21 =	vadd.f32 v23, v22  }
0x68: {  	v25 =	vld [tilespmem:s6+$0x450];
	v18 =	vadd.f32 v46, v18;
	v11 =	vadd.f32 v45, v11  }
0x69: {  	v22 =	vld [tilespmem:s8+$0x450];
	v17 =	vadd.f32 v17, v20;
	v19 =	vadd.f32 v19, v21  }
0x6a: {  	v23 =	vld [tilespmem:s8+$0x460];
	v18 =	vadd.f32 v27, v18;
	v11 =	vadd.f32 v26, v11  }
0x6b: {  	v27 =	vld [tilespmem:s7+$0x470];
	v17 =	vadd.f32 v28, v17;
	v19 =	vadd.f32 v29, v19  }
0x6c: {  	v26 =	vld [tilespmem:s7+$0x460];
	v10 =	vadd.f32 v10, v18;
	v11 =	vadd.f32 v9, v11  }
0x6d: {  	v20 =	vld [tilespmem:s6+$0x460];
	v9 =	vadd.f32 v8, v17;
	v17 =	vadd.f32 v62, v44  }
0x6e: {  	v21 =	vld [tilespmem:s6+$0x470];
	v8 =	vadd.f32 v16, v19;
	v19 =	vadd.f32 v22, v44  }
0x6f: {  	s1 =	sadd.s32 s1, s4;
	v22 =	vadd.f32 v23, v44;
	v23 =	vadd.f32 v63, v44;
	v16 =	vld [tilespmem:s5+$0x460]  }
0x70: {  	s4 =	simm.s32 $0x0;
	s6 =	simm.s32 $0x900;
	v18 =	vadd.f32 v60, v17;
	v17 =	vld [tilespmem:s5+$0x470];
	s5 =	simm.s32 $0x480;
	v19 =	vadd.f32 v61, v19  }
.LBB2_1:
0x71: {  	s7 =	sand.u32 $0x7800, s6;
	s8 =	sand.u32 $0x380, s5;
	v22 =	vadd.f32 v26, v22;
	v23 =	vadd.f32 v27, v23;
	v26 =	vld [tilespmem:s2+$0x460]  }
0x72: {  	v18 =	vadd.f32 v24, v18;
	v19 =	vadd.f32 v25, v19;
	v25 =	vld [tilespmem:s2+$0x470];
	s2 =	sor.u32 s8, s7  }
0x73: {  	v32 =	vld [tilespmem:s2+$0x0];
	v20 =	vadd.f32 v20, v22;
	v21 =	vadd.f32 v21, v23  }
0x74: {  	v33 =	vld [tilespmem:s2+$0x10];
	v14 =	vadd.f32 v14, v18;
	v15 =	vadd.f32 v15, v19  }
0x75: {  	v34 =	vld [tilespmem:s2+$0x20];
	v18 =	vadd.f32 v16, v20;
	v19 =	vadd.f32 v17, v21  }
0x76: {  	v35 =	vld [tilespmem:s2+$0x30];
	v16 =	vadd.f32 v12, v14;
	v17 =	vadd.f32 v13, v15  }
0x77: {  	v24 =	vld [tilespmem:s2+$0x40];
	v18 =	vadd.f32 v26, v18;
	v19 =	vadd.f32 v25, v19  }
0x78: {  	v26 =	vld [tilespmem:s2+$0x50]  }
0x79: {  	v25 =	vld [tilespmem:s2+$0x60]  }
0x7a: {  	v27 =	vld [tilespmem:s2+$0x70]  }
0x7b: {  	v20 =	vld [tilespmem:s2+$0x400]  }
0x7c: {  	v22 =	vld [tilespmem:s2+$0x410]  }
0x7d: {  	v21 =	vld [tilespmem:s2+$0x420]  }
0x7e: {  	s7 =	sadd.s32 $0xFFFFFF00, s6;
	s8 =	sadd.s32 $0xFFFFFF80, s5;
	v23 =	vld [tilespmem:s2+$0x430]  }
0x7f: {  	s7 =	sand.u32 $0x7800, s7;
	s8 =	sand.u32 $0x380, s8;
	v12 =	vld [tilespmem:s2+$0x440]  }
0x80: {  	s7 =	sor.u32 s8, s7;
	v13 =	vld [tilespmem:s2+$0x450]  }
0x81: {  	v40 =	vld [tilespmem:s7+$0x0]  }
0x82: {  	v41 =	vld [tilespmem:s7+$0x10]  }
0x83: {  	v42 =	vld [tilespmem:s7+$0x20]  }
0x84: {  	v43 =	vld [tilespmem:s7+$0x30]  }
0x85: {  	v36 =	vld [tilespmem:s7+$0x40]  }
0x86: {  	v38 =	vld [tilespmem:s7+$0x50]  }
0x87: {  	v37 =	vld [tilespmem:s7+$0x60]  }
0x88: {  	v39 =	vld [tilespmem:s7+$0x70]  }
0x89: {  	v28 =	vld [tilespmem:s7+$0x400]  }
0x8a: {  	v30 =	vld [tilespmem:s7+$0x410]  }
0x8b: {  	v29 =	vld [tilespmem:s7+$0x420]  }
0x8c: {  	s9 =	sadd.s32 $0xFFFFFF00, s5;
	s8 =	sadd.s32 $0xFFFFFE00, s6;
	v31 =	vld [tilespmem:s7+$0x430]  }
0x8d: {  	s9 =	sand.u32 $0x380, s9;
	s8 =	sand.u32 $0x7800, s8;
	v14 =	vld [tilespmem:s7+$0x440]  }
0x8e: {  	s8 =	sor.u32 s9, s8;
	v15 =	vld [tilespmem:s7+$0x450]  }
0x8f: {  	v44 =	vld [tilespmem:s8+$0x0]  }
0x90: {  	v45 =	vld [tilespmem:s8+$0x10]  }
0x91: {  	v46 =	vld [tilespmem:s8+$0x20]  }
0x92: {  	v47 =	vld [tilespmem:s8+$0x30]  }
0x93: {  	v48 =	vld [tilespmem:s8+$0x40]  }
0x94: {  	s10 =	sadd.s32 $0xFFFFFE80, s5;
	s9 =	sadd.s32 $0xFFFFFD00, s6;
	v49 =	vld [tilespmem:s8+$0x50]  }
0x95: {  	s10 =	sand.u32 $0x380, s10;
	s9 =	sand.u32 $0x7800, s9;
	v50 =	vld [tilespmem:s8+$0x60]  }
0x96: {  	s11 =	sadd.s32 $0xFFFFFC00, s6;
	s12 =	sadd.s32 $0xFFFFFE00, s5;
	s9 =	sor.u32 s10, s9;
	v51 =	vld [tilespmem:s8+$0x70]  }
0x97: {  	s10 =	sand.u32 $0x3800, s11;
	s11 =	sand.u32 $0x380, s12;
	v52 =	vld [tilespmem:s9+$0x0]  }
0x98: {  	s10 =	sor.u32 s11, s10;
	v53 =	vld [tilespmem:s9+$0x10]  }
0x99: {  	v54 =	vld [tilespmem:s10+$0x0]  }
0x9a: {  	v55 =	vld [tilespmem:s10+$0x10]  }
0x9b: {  	v56 =	vld [tilespmem:s10+$0x20]  }
0x9c: {  	v57 =	vld [tilespmem:s10+$0x30]  }
0x9d: {  	v58 =	vld [tilespmem:s9+$0x20]  }
0x9e: {  	v59 =	vld [tilespmem:s9+$0x30]  }
0x9f: {  	v60 =	vld [tilespmem:s8+$0x400]  }
0xa0: {  	v2 =	vadd.f32 v54, v2;
	v0 =	vadd.f32 v55, v0;
	v54 =	vld [tilespmem:s8+$0x410]  }
0xa1: {  	v1 =	vadd.f32 v56, v1;
	v3 =	vadd.f32 v57, v3;
	v55 =	vld [tilespmem:s9+$0x40]  }
0xa2: {  	v2 =	vadd.f32 v52, v2;
	v0 =	vadd.f32 v53, v0;
	v52 =	vld [tilespmem:s9+$0x50]  }
0xa3: {  	v1 =	vadd.f32 v58, v1;
	v53 =	vld [tilespmem:s10+$0x40];
	v3 =	vadd.f32 v59, v3  }
0xa4: {  	v2 =	vadd.f32 v44, v2;
	v0 =	vadd.f32 v45, v0;
	v56 =	vld [tilespmem:s10+$0x50]  }
0xa5: {  	v1 =	vadd.f32 v46, v1;
	v44 =	vld [tilespmem:s10+$0x60];
	v3 =	vadd.f32 v47, v3  }
0xa6: {  	v2 =	vadd.f32 v40, v2;
	v0 =	vadd.f32 v41, v0;
	v45 =	vld [tilespmem:s10+$0x70]  }
0xa7: {  	v1 =	vadd.f32 v42, v1;
	v40 =	vld [tilespmem:s9+$0x60];
	v3 =	vadd.f32 v43, v3  }
0xa8: {  	v2 =	vadd.f32 v32, v2;
	v0 =	vadd.f32 v33, v0;
	v41 =	vld [tilespmem:s9+$0x70]  }
0xa9: {  	v1 =	vadd.f32 v34, v1;
	v32 =	vld [tilespmem:s8+$0x420];
	v3 =	vadd.f32 v35, v3  }
0xaa: {  	v4 =	vadd.f32 v53, v4;
	v6 =	vadd.f32 v56, v6;
	v33 =	vld [tilespmem:s8+$0x430]  }
0xab: {  	v5 =	vadd.f32 v44, v5;
	v7 =	vadd.f32 v45, v7;
	v34 =	vld [tilespmem:s9+$0x400]  }
0xac: {  	v4 =	vadd.f32 v55, v4;
	v6 =	vadd.f32 v52, v6;
	v35 =	vld [tilespmem:s9+$0x410]  }
0xad: {  	v5 =	vadd.f32 v40, v5;
	v42 =	vld [tilespmem:s10+$0x400];
	v7 =	vadd.f32 v41, v7  }
0xae: {  	v4 =	vadd.f32 v48, v4;
	v6 =	vadd.f32 v49, v6;
	v40 =	vld [tilespmem:s10+$0x410]  }
0xaf: {  	v5 =	vadd.f32 v50, v5;
	v41 =	vld [tilespmem:s10+$0x420];
	v7 =	vadd.f32 v51, v7  }
0xb0: {  	v4 =	vadd.f32 v36, v4;
	v6 =	vadd.f32 v38, v6;
	v43 =	vld [tilespmem:s10+$0x430]  }
0xb1: {  	v5 =	vadd.f32 v37, v5;
	v36 =	vld [tilespmem:s9+$0x420];
	v7 =	vadd.f32 v39, v7  }
0xb2: {  	v4 =	vadd.f32 v24, v4;
	v6 =	vadd.f32 v26, v6;
	v37 =	vld [tilespmem:s9+$0x430]  }
0xb3: {  	v5 =	vadd.f32 v25, v5;
	v24 =	vld [tilespmem:s8+$0x440];
	v7 =	vadd.f32 v27, v7  }
0xb4: {  	v11 =	vadd.f32 v42, v11;
	v10 =	vadd.f32 v40, v10;
	v25 =	vld [tilespmem:s8+$0x450]  }
0xb5: {  	v9 =	vadd.f32 v41, v9;
	v8 =	vadd.f32 v43, v8;
	v38 =	vld [tilespmem:s9+$0x440]  }
0xb6: {  	v11 =	vadd.f32 v34, v11;
	v10 =	vadd.f32 v35, v10;
	v34 =	vld [tilespmem:s9+$0x450]  }
0xb7: {  	s4 =	sadd.s32 $0x5, s4;
	v9 =	vadd.f32 v36, v9;
	v35 =	vld [tilespmem:s10+$0x440];
	v8 =	vadd.f32 v37, v8  }
0xb8: {  	p1 =	slt.u32 s4, $0x2D;
	v11 =	vadd.f32 v60, v11;
	v10 =	vadd.f32 v54, v10;
	v36 =	vld [tilespmem:s10+$0x450]  }
0xb9: {  	v9 =	vadd.f32 v32, v9;
	v37 =	vld [tilespmem:s10+$0x460];
	v8 =	vadd.f32 v33, v8  }
0xba: {  	v11 =	vadd.f32 v28, v11;
	v10 =	vadd.f32 v30, v10;
	v32 =	vld [tilespmem:s10+$0x470]  }
0xbb: {  	v9 =	vadd.f32 v29, v9;
	v26 =	vld [tilespmem:s9+$0x460];
	v8 =	vadd.f32 v31, v8  }
.Ltmp0:
0xbc: {  	v11 =	vadd.f32 v20, v11;
	v10 =	vadd.f32 v22, v10;
	v27 =	vld [tilespmem:s9+$0x470];
	(pc) =	sbr.rel @p1 .LBB2_1-.Ltmp0, $4  }
0xbd: {  	v9 =	vadd.f32 v21, v9;
	v20 =	vld [tilespmem:s8+$0x460];
	v8 =	vadd.f32 v23, v8  }
0xbe: {  	v28 =	vadd.f32 v35, v16;
	v17 =	vadd.f32 v36, v17;
	v21 =	vld [tilespmem:s8+$0x470]  }
0xbf: {  	v22 =	vadd.f32 v37, v18;
	v23 =	vadd.f32 v32, v19;
	v16 =	vld [tilespmem:s7+$0x460]  }
0xc0: {  	s5 =	sadd.s32 $0x280, s5;
	s6 =	sadd.s32 $0x500, s6;
	v18 =	vadd.f32 v38, v28;
	v19 =	vadd.f32 v34, v17;
	v17 =	vld [tilespmem:s7+$0x470]  }
0xc1: {  	s4 =	simm.s32 $0x0  }
0xc2: {  	v29 =	vmov s4  }
0xc3: {  	v29 =	vand.u32 $0xFFFFFFFC, v29  }
0xc4: {  	v28 =	vld [tilespmem:s2+$0x460];
	v29 =	vbroadcast v29, $0x0  }
0xc5: {  	v30 =	vld [tilespmem:s2+$0x470];
	[bflag:$0x0] =	sbarrier.arrive $0xFFFF;
	s2 =	simm.s32 $0x5800;
	s9 =	simm.s32 $0x3  }
0xc6: {  	[tilespmem:s2], [sflag:$0x3] =	stream.linear.gather [spmem:s3], $0x80, $0x38;
	[tilespmem:$0x9888] =	vst v63  }
0xc7: {  	_ =	swait.ge [sflag:s9], $0x80  }
0xc8: {  	[sflag:s9] =	ssyncset.done $0x0  }
0xc9: {  	[sflag:s9] =	ssyncadd.s32 $0xFFFFFF80  }
0xca: {  	v29 =	vld.idx.msk [tilespmem:v29+s2+$0x0], $0xffff;
	_ =	sdelay $0x3  }
0xcb: {  	s5 =	simm.s32 $0x0;
	s10 =	sand.u32 $0x3800, s4  }
0xcc: {  	s5 =	sand.u32 $0x200, s5;
	s3 =	sadd.s32 $0x5880, s10;
	v31 =	vmul.f32 v29, v1  }
0xcd: {  	s5 =	sor.u32 s5, s3;
	v32 =	vmul.f32 v29, v7  }
0xce: {  	v59 =	vmul.f32 v29, v0;
	[tilespmem:s5+$0x20] =	vst v31  }
0xcf: {  	s6 =	simm.s32 $0x1;
	v60 =	vmul.f32 v29, v5;
	[tilespmem:s5+$0x70] =	vst v32  }
0xd0: {  	v22 =	vadd.f32 v26, v22;
	[dreg:$0x5] =	wrdreg s6;
	v61 =	vmul.f32 v29, v3;
	[tilespmem:s5+$0x10] =	vst v59  }
0xd1: {  	p1 =	por $0x0, $0x0;
	v23 =	vadd.f32 v27, v23;
	v18 =	vadd.f32 v24, v18;
	s6 =	rddreg [dreg:$0x5];
	v62 =	vmul.f32 v29, v2;
	[tilespmem:s5+$0x60] =	vst v60  }
0xd2: {  	v19 =	vadd.f32 v25, v19;
	v20 =	vadd.f32 v20, v22;
	s6 =	simm.s32 @!p1 $0x0;
	v63 =	vmul.f32 v29, v4;
	[tilespmem:s5+$0x30] =	vst v61  }
0xd3: {  	v21 =	vadd.f32 v21, v23;
	v14 =	vadd.f32 v14, v18;
	s6 =	sshll.u32 s6, $0x9;
	v18 =	vmul.f32 v29, v6;
	[tilespmem:s5+$0x0] =	vst v62  }
0xd4: {  	v15 =	vadd.f32 v15, v19;
	s6 =	sadd.s32 $0x0, s6;
	v22 =	vmul.f32 v29, v11;
	[tilespmem:s5+$0x40] =	vst v63  }
0xd5: {  	s11 =	simm.s32 $0x1;
	v16 =	vadd.f32 v16, v20;
	v17 =	vadd.f32 v17, v21;
	s7 =	sor.u32 $0x400, s6;
	v19 =	vmul.f32 v29, v10;
	[tilespmem:s5+$0x50] =	vst v18  }
0xd6: {  	v12 =	vadd.f32 v12, v14;
	v14 =	vmov s11;
	s12 =	sor.u32 $0x410, s6;
	v20 =	vmul.f32 v29, v9;
	[tilespmem:s7+$0x5880] =	vst v22  }
0xd7: {  	v13 =	vadd.f32 v13, v15;
	v15 =	vand.u32 $0xFFFFFFFD, v14;
	s13 =	sor.u32 $0x420, s6;
	v18 =	vmul.f32 v29, v8;
	[tilespmem:s12+$0x5880] =	vst v19  }
0xd8: {  	v14 =	vadd.f32 v28, v16;
	s14 =	sor.u32 $0x430, s6;
	v16 =	vmul.f32 v29, v12;
	v19 =	vbroadcast v15, $0x0;
	[tilespmem:s13+$0x5880] =	vst v20  }
0xd9: {  	s15 =	sor.u32 $0x440, s6;
	v15 =	vadd.f32 v30, v17;
	v17 =	vmul.f32 v29, v13;
	[tilespmem:s14+$0x5880] =	vst v18  }
0xda: {  	s16 =	sor.u32 $0x450, s6;
	v18 =	vmul.f32 v29, v14;
	[tilespmem:s15+$0x5880] =	vst v16  }
0xdb: {  	s17 =	sor.u32 $0x460, s6;
	v16 =	vmul.f32 v29, v15;
	[tilespmem:s16+$0x5880] =	vst v17  }
0xdc: {  	s18 =	sor.u32 $0x470, s6;
	[tilespmem:s17+$0x5880] =	vst v18  }
0xdd: {  	[tilespmem:s18+$0x5880] =	vst v16  }
0xde: {  	v16 =	vld.idx.msk [tilespmem:v19+s2+$0x0], $0xffff;
	_ =	sdelay $0x3  }
0xdf: {  	s19 =	simm.s32 $0x80  }
0xe0: {  	s5 =	sand.u32 $0x280, s19;
	v17 =	vmul.f32 v16, v2  }
0xe1: {  	s5 =	sadd.s32 s5, s3;
	v18 =	vmul.f32 v16, v1  }
0xe2: {  	v19 =	vmul.f32 v16, v5;
	[tilespmem:s5+$0x0] =	vst v17  }
0xe3: {  	v17 =	vmul.f32 v16, v3;
	[tilespmem:s5+$0x20] =	vst v18  }
0xe4: {  	v18 =	vmul.f32 v16, v4;
	[tilespmem:s5+$0x60] =	vst v19  }
0xe5: {  	s20 =	sand.u32 $0x7, s4;
	v19 =	vmul.f32 v16, v7;
	[tilespmem:s5+$0x30] =	vst v17  }
0xe6: {  	s6 =	sshll.u32 s20, $0x7;
	v17 =	vmul.f32 v16, v6;
	[tilespmem:s5+$0x40] =	vst v18  }
0xe7: {  	s6 =	sadd.s32 $0x0, s6;
	v18 =	vmul.f32 v16, v0;
	[tilespmem:s5+$0x70] =	vst v19  }
0xe8: {  	s21 =	sadd.s32 $0x80, s6;
	[tilespmem:s5+$0x50] =	vst v17;
	v17 =	vmul.f32 v16, v11  }
0xe9: {  	s8 =	simm.s32 $0x2;
	s22 =	sor.u32 $0x400, s21;
	[tilespmem:s5+$0x10] =	vst v18;
	v18 =	vmul.f32 v16, v10  }
0xea: {  	s23 =	sor.u32 $0x410, s21;
	v19 =	vmov s8;
	[tilespmem:s22+$0x5880] =	vst v17;
	v17 =	vmul.f32 v16, v9  }
0xeb: {  	s24 =	sor.u32 $0x420, s21;
	v19 =	vand.u32 $0xFFFFFFFE, v19;
	[tilespmem:s23+$0x5880] =	vst v18;
	v18 =	vmul.f32 v16, v8  }
0xec: {  	s25 =	sor.u32 $0x430, s21;
	v19 =	vbroadcast v19, $0x0;
	[tilespmem:s24+$0x5880] =	vst v17;
	v17 =	vmul.f32 v16, v12  }
0xed: {  	s26 =	sor.u32 $0x440, s21;
	[tilespmem:s25+$0x5880] =	vst v18;
	v18 =	vmul.f32 v16, v13  }
0xee: {  	s28 =	sor.u32 $0x450, s21;
	[tilespmem:s26+$0x5880] =	vst v17;
	v17 =	vmul.f32 v16, v14  }
0xef: {  	s29 =	sor.u32 $0x460, s21;
	v16 =	vmul.f32 v16, v15;
	[tilespmem:s28+$0x5880] =	vst v18  }
0xf0: {  	s30 =	sor.u32 $0x470, s21;
	[tilespmem:s29+$0x5880] =	vst v17  }
0xf1: {  	[tilespmem:s30+$0x5880] =	vst v16  }
0xf2: {  	v16 =	vld.idx.msk [tilespmem:v19+s2+$0x0], $0xffff;
	_ =	sdelay $0x3  }
0xf3: {  	s31 =	simm.s32 $0x100  }
0xf4: {  	s5 =	sand.u32 $0x300, s31;
	v17 =	vmul.f32 v16, v2  }
0xf5: {  	s13 =	sor.u32 s5, s3;
	v18 =	vmul.f32 v16, v0  }
0xf6: {  	s10 =	simm.s32 $0x2;
	v19 =	vmul.f32 v16, v6;
	[tilespmem:s13+$0x0] =	vst v17  }
0xf7: {  	p1 =	por !p1, !p1;
	s9 =	simm.s32 $0x400;
	s11 =	simm.s32 $0x0;
	v21 =	vmul.f32 v16, v5;
	[tilespmem:s13+$0x10] =	vst v18  }
0xf8: {  	s7 =	simm.s32 $0x180;
	s12 =	sadd.s32 $0x180, s6;
	s6 =	simm.s32 $0x0;
	v20 =	vmul.f32 v16, v3;
	v17 =	vmul.f32 v16, v1;
	[tilespmem:s13+$0x50] =	vst v19  }
0xf9: {  	s14 =	sand.u32 $0x3, s4;
	s8 =	simm.s32 $0x4;
	s5 =	simm.s32 $0x180;
	v18 =	vmul.f32 v16, v4;
	v19 =	vmul.f32 v16, v7;
	[tilespmem:s13+$0x60] =	vst v21  }
.LBB2_3:
0xfa: {  	s14 =	sshll.u32 s14, $0x8;
	[tilespmem:s13+$0x30] =	vst v20  }
0xfb: {  	s11 =	sadd.s32 s11, s14;
	[tilespmem:s13+$0x40] =	vst v18  }
0xfc: {  	v18 =	vmul.f32 v16, v11;
	[tilespmem:s13+$0x70] =	vst v19;
	s14 =	sadd.s32 $0x100, s11  }
0xfd: {  	[tilespmem:s13+$0x20] =	vst v17;
	v17 =	vmul.f32 v16, v10;
	s24 =	sor.u32 $0x400, s14  }
0xfe: {  	s25 =	sor.u32 $0x410, s14;
	[tilespmem:s24+$0x5880] =	vst v18;
	v18 =	vmul.f32 v16, v9  }
0xff: {  	s26 =	sor.u32 $0x420, s14;
	[tilespmem:s25+$0x5880] =	vst v17;
	v17 =	vmul.f32 v16, v8  }
0x100: {  	s16 =	sadd.s32 $0x3, s6;
	s28 =	sor.u32 $0x430, s14;
	[tilespmem:s26+$0x5880] =	vst v18;
	v18 =	vmul.f32 v16, v12  }
0x101: {  	v19 =	vmov s16;
	s29 =	sor.u32 $0x440, s14;
	[tilespmem:s28+$0x5880] =	vst v17;
	v17 =	vmul.f32 v16, v13  }
0x102: {  	s30 =	sor.u32 $0x450, s14;
	[tilespmem:s29+$0x5880] =	vst v18;
	v18 =	vmul.f32 v16, v14  }
0x103: {  	s31 =	sor.u32 $0x460, s14;
	v16 =	vmul.f32 v16, v15;
	[tilespmem:s30+$0x5880] =	vst v17  }
0x104: {  	s14 =	sor.u32 $0x470, s14;
	[tilespmem:s31+$0x5880] =	vst v18  }
0x105: {  	[tilespmem:s14+$0x5880] =	vst v16  }
0x106: {  	v16 =	vld.idx.msk [tilespmem:v19+s2+$0x0], $0xffff;
	_ =	sdelay $0x3  }
0x107: {  	s15 =	smov.u32 s8  }
0x108: {  	s6 =	smov.u32 s15;
	s15 =	sand.u32 $0x380, s5;
	v17 =	vmul.f32 v16, v2  }
0x109: {  	s3 =	sadd.s32 s15, s3;
	v20 =	vmul.f32 v16, v3  }
0x10a: {  	v22 =	vmul.f32 v16, v7;
	[tilespmem:s3+$0x0] =	vst v17  }
0x10b: {  	v19 =	vmul.f32 v16, v1;
	[tilespmem:s3+$0x30] =	vst v20  }
0x10c: {  	v18 =	vmul.f32 v16, v0;
	[tilespmem:s3+$0x70] =	vst v22  }
0x10d: {  	v21 =	vmul.f32 v16, v5;
	[tilespmem:s3+$0x20] =	vst v19  }
0x10e: {  	v17 =	vmul.f32 v16, v6;
	[tilespmem:s3+$0x10] =	vst v18  }
0x10f: {  	v20 =	vmul.f32 v16, v4;
	[tilespmem:s3+$0x60] =	vst v21  }
0x110: {  	v18 =	vmul.f32 v16, v11;
	[tilespmem:s3+$0x50] =	vst v17  }
0x111: {  	s16 =	sor.u32 $0x400, s12;
	v19 =	vmul.f32 v16, v10;
	[tilespmem:s3+$0x40] =	vst v20  }
0x112: {  	s17 =	sor.u32 $0x410, s12;
	v17 =	vmov s6;
	[tilespmem:s16+$0x5880] =	vst v18;
	v18 =	vmul.f32 v16, v9  }
0x113: {  	s18 =	sor.u32 $0x420, s12;
	v17 =	vand.u32 $0xFFFFFFFC, v17;
	[tilespmem:s17+$0x5880] =	vst v19;
	v19 =	vmul.f32 v16, v8  }
0x114: {  	s19 =	sor.u32 $0x430, s12;
	v17 =	vbroadcast v17, $0x0;
	[tilespmem:s18+$0x5880] =	vst v18;
	v18 =	vmul.f32 v16, v12  }
0x115: {  	s20 =	sor.u32 $0x440, s12;
	[tilespmem:s19+$0x5880] =	vst v19;
	v19 =	vmul.f32 v16, v13  }
0x116: {  	s21 =	sor.u32 $0x450, s12;
	[tilespmem:s20+$0x5880] =	vst v18;
	v18 =	vmul.f32 v16, v14  }
0x117: {  	s22 =	sor.u32 $0x460, s12;
	v16 =	vmul.f32 v16, v15;
	[tilespmem:s21+$0x5880] =	vst v19  }
0x118: {  	s23 =	sor.u32 $0x470, s12;
	[tilespmem:s22+$0x5880] =	vst v18  }
0x119: {  	[tilespmem:s23+$0x5880] =	vst v16  }
0x11a: {  	v16 =	vld.idx.msk [tilespmem:v17+s2+$0x0], $0xffff;
	_ =	sdelay $0x2  }
0x11b: {  	s7 =	sadd.s32 $0x200, s7  }
0x11c: {  	s24 =	sand.u32 $0x3800, s9;
	s25 =	sadd.s32 $0xFFFFFE80, s7  }
0x11d: {  	s12 =	sand.u32 $0x200, s25;
	s3 =	sadd.s32 $0x5880, s24;
	v17 =	vmul.f32 v16, v1  }
0x11e: {  	s12 =	sor.u32 s12, s3;
	v19 =	vmul.f32 v16, v7  }
0x11f: {  	v21 =	vmul.f32 v16, v0;
	[tilespmem:s12+$0x20] =	vst v17  }
0x120: {  	v18 =	vmul.f32 v16, v5;
	[tilespmem:s12+$0x70] =	vst v19  }
0x121: {  	s13 =	rddreg [dreg:$0x5];
	v22 =	vmul.f32 v16, v3;
	[tilespmem:s12+$0x10] =	vst v21  }
0x122: {  	s13 =	simm.s32 @!p1 $0x0;
	v23 =	vmul.f32 v16, v2;
	[tilespmem:s12+$0x60] =	vst v18  }
0x123: {  	s13 =	sshll.u32 s13, $0x9;
	v24 =	vmul.f32 v16, v4;
	[tilespmem:s12+$0x30] =	vst v22  }
0x124: {  	s13 =	sadd.s32 s13, s9;
	v20 =	vmul.f32 v16, v11;
	[tilespmem:s12+$0x0] =	vst v23  }
0x125: {  	s26 =	sor.u32 $0x400, s13;
	v18 =	vmul.f32 v16, v6;
	[tilespmem:s12+$0x40] =	vst v24  }
0x126: {  	s28 =	sadd.s32 $0x1, s6;
	v17 =	vmul.f32 v16, v10;
	[tilespmem:s26+$0x5880] =	vst v20  }
0x127: {  	s29 =	sor.u32 $0x410, s13;
	v19 =	vmul.f32 v16, v9;
	[tilespmem:s12+$0x50] =	vst v18;
	v18 =	vmov s28  }
0x128: {  	s30 =	sor.u32 $0x420, s13;
	v21 =	vmul.f32 v16, v8;
	[tilespmem:s29+$0x5880] =	vst v17;
	v17 =	vand.u32 $0xFFFFFFFD, v18  }
0x129: {  	s31 =	sor.u32 $0x430, s13;
	v22 =	vmul.f32 v16, v12;
	[tilespmem:s30+$0x5880] =	vst v19;
	v17 =	vbroadcast v17, $0x0  }
0x12a: {  	s14 =	sor.u32 $0x440, s13;
	v23 =	vmul.f32 v16, v13;
	[tilespmem:s31+$0x5880] =	vst v21  }
0x12b: {  	s15 =	sor.u32 $0x450, s13;
	v63 =	vmul.f32 v16, v14;
	[tilespmem:s14+$0x5880] =	vst v22  }
0x12c: {  	s16 =	sor.u32 $0x460, s13;
	v16 =	vmul.f32 v16, v15;
	[tilespmem:s15+$0x5880] =	vst v23  }
0x12d: {  	s17 =	sor.u32 $0x470, s13;
	[tilespmem:s16+$0x5880] =	vst v63  }
0x12e: {  	[tilespmem:s17+$0x5880] =	vst v16  }
0x12f: {  	v16 =	vld.idx.msk [tilespmem:v17+s2+$0x0], $0xffff;
	_ =	sdelay $0x3  }
0x130: {  	s18 =	sadd.s32 $0xFFFFFF00, s7  }
0x131: {  	s12 =	sand.u32 $0x280, s18;
	v17 =	vmul.f32 v16, v2  }
0x132: {  	s19 =	sadd.s32 s12, s3;
	v19 =	vmul.f32 v16, v1  }
0x133: {  	v21 =	vmul.f32 v16, v5;
	[tilespmem:s19+$0x0] =	vst v17  }
0x134: {  	v20 =	vmul.f32 v16, v6;
	[tilespmem:s19+$0x20] =	vst v19  }
0x135: {  	s4 =	sadd.s32 $0x4, s4;
	v22 =	vmul.f32 v16, v7;
	[tilespmem:s19+$0x60] =	vst v21  }
0x136: {  	s20 =	sand.u32 $0x7, s4;
	v18 =	vmul.f32 v16, v0;
	[tilespmem:s19+$0x50] =	vst v20  }
0x137: {  	s12 =	sshll.u32 s20, $0x7;
	v17 =	vmul.f32 v16, v3;
	[tilespmem:s19+$0x70] =	vst v22  }
0x138: {  	s12 =	sadd.s32 s9, s12;
	v19 =	vmul.f32 v16, v4;
	[tilespmem:s19+$0x10] =	vst v18  }
0x139: {  	s21 =	sadd.s32 $0x80, s12;
	[tilespmem:s19+$0x30] =	vst v17;
	v17 =	vmul.f32 v16, v11  }
0x13a: {  	s22 =	sor.u32 $0x400, s21;
	s15 =	sadd.s32 $0x2, s6;
	v18 =	vmul.f32 v16, v10;
	[tilespmem:s19+$0x40] =	vst v19  }
0x13b: {  	s23 =	sor.u32 $0x410, s21;
	v19 =	vmov s15;
	[tilespmem:s22+$0x5880] =	vst v17;
	v17 =	vmul.f32 v16, v9  }
0x13c: {  	s24 =	sor.u32 $0x420, s21;
	v19 =	vand.u32 $0xFFFFFFFE, v19;
	[tilespmem:s23+$0x5880] =	vst v18;
	v18 =	vmul.f32 v16, v8  }
0x13d: {  	s25 =	sor.u32 $0x430, s21;
	v19 =	vbroadcast v19, $0x0;
	[tilespmem:s24+$0x5880] =	vst v17;
	v17 =	vmul.f32 v16, v12  }
0x13e: {  	s26 =	sor.u32 $0x440, s21;
	[tilespmem:s25+$0x5880] =	vst v18;
	v18 =	vmul.f32 v16, v13  }
0x13f: {  	s28 =	sor.u32 $0x450, s21;
	[tilespmem:s26+$0x5880] =	vst v17;
	v17 =	vmul.f32 v16, v14  }
0x140: {  	s29 =	sor.u32 $0x460, s21;
	v16 =	vmul.f32 v16, v15;
	[tilespmem:s28+$0x5880] =	vst v18  }
0x141: {  	s30 =	sor.u32 $0x470, s21;
	[tilespmem:s29+$0x5880] =	vst v17  }
0x142: {  	[tilespmem:s30+$0x5880] =	vst v16  }
0x143: {  	v16 =	vld.idx.msk [tilespmem:v19+s2+$0x0], $0xffff;
	_ =	sdelay $0x3  }
0x144: {  	s31 =	sadd.s32 $0xFFFFFF80, s7  }
0x145: {  	p2 =	slt.u32 s8, $0x3C;
	s13 =	sand.u32 $0x300, s31;
	v18 =	vmul.f32 v16, v2  }
.Ltmp1:
0x146: {  	s13 =	sor.u32 s13, s3;
	v19 =	vmul.f32 v16, v0;
	(pc) =	sbr.rel @p2 .LBB2_3-.Ltmp1, $4  }
0x147: {  	v21 =	vmul.f32 v16, v6;
	[tilespmem:s13+$0x0] =	vst v18  }
0x148: {  	s8 =	sadd.s32 $0x4, s8;
	s5 =	smov.u32 s7;
	v22 =	vmul.f32 v16, v5;
	[tilespmem:s13+$0x10] =	vst v19  }
0x149: {  	s11 =	smov.u32 s9;
	p1 =	por !p1, !p1;
	s9 =	sadd.s32 $0x400, s9;
	v17 =	vmul.f32 v16, v1;
	v20 =	vmul.f32 v16, v3;
	[tilespmem:s13+$0x50] =	vst v21  }
0x14a: {  	s12 =	sadd.s32 $0x180, s12;
	s14 =	sand.u32 $0x3, s10;
	s10 =	sadd.s32 $0x2, s10;
	v18 =	vmul.f32 v16, v4;
	v19 =	vmul.f32 v16, v7;
	[tilespmem:s13+$0x60] =	vst v22  }
0x14b: {  	s4 =	sshll.u32 s14, $0x8;
	[tilespmem:s13+$0x30] =	vst v20  }
0x14c: {  	[tilespmem:s13+$0x20] =	vst v17;
	s4 =	sadd.s32 s11, s4  }
0x14d: {  	v43 =	vmul.f32 v16, v11;
	[tilespmem:s13+$0x40] =	vst v18;
	s4 =	sadd.s32 $0x100, s4  }
0x14e: {  	v44 =	vmul.f32 v16, v10;
	[tilespmem:s13+$0x70] =	vst v19;
	s7 =	sor.u32 $0x400, s4  }
0x14f: {  	v45 =	vmul.f32 v16, v9;
	s11 =	sor.u32 $0x410, s4;
	[tilespmem:s7+$0x5880] =	vst v43  }
0x150: {  	v46 =	vmul.f32 v16, v8;
	s13 =	sor.u32 $0x420, s4;
	[tilespmem:s11+$0x5880] =	vst v44  }
0x151: {  	v47 =	vmul.f32 v16, v12;
	s6 =	sadd.s32 $0x3, s6;
	s14 =	sor.u32 $0x430, s4;
	[tilespmem:s13+$0x5880] =	vst v45  }
0x152: {  	v48 =	vmul.f32 v16, v13;
	v49 =	vmov s6;
	s15 =	sor.u32 $0x440, s4;
	[tilespmem:s14+$0x5880] =	vst v46  }
0x153: {  	v50 =	vmul.f32 v16, v14;
	s16 =	sor.u32 $0x450, s4;
	[tilespmem:s15+$0x5880] =	vst v47  }
0x154: {  	v51 =	vmul.f32 v16, v15;
	s17 =	sor.u32 $0x460, s4;
	[tilespmem:s16+$0x5880] =	vst v48  }
0x155: {  	s4 =	sor.u32 $0x470, s4;
	[tilespmem:s17+$0x5880] =	vst v50  }
0x156: {  	[tilespmem:s4+$0x5880] =	vst v51  }
0x157: {  	v16 =	vld.idx.msk [tilespmem:v49+s2+$0x0], $0xffff;
	_ =	sdelay $0x4  }
0x158: {  	s18 =	sand.u32 $0x380, s5;
	v2 =	vmul.f32 v16, v2  }
0x159: {  	s2 =	sadd.s32 s18, s3;
	v3 =	vmul.f32 v16, v3  }
0x15a: {  	v52 =	vmul.f32 v16, v6;
	[tilespmem:s2+$0x0] =	vst v2  }
0x15b: {  	v53 =	vmul.f32 v16, v7;
	[tilespmem:s2+$0x30] =	vst v3  }
0x15c: {  	v1 =	vmul.f32 v16, v1;
	[tilespmem:s2+$0x50] =	vst v52  }
0x15d: {  	v0 =	vmul.f32 v16, v0;
	[tilespmem:s2+$0x70] =	vst v53  }
0x15e: {  	v54 =	vmul.f32 v16, v4;
	[tilespmem:s2+$0x20] =	vst v1  }
0x15f: {  	v55 =	vmul.f32 v16, v5;
	[tilespmem:s2+$0x10] =	vst v0  }
0x160: {  	v56 =	vmul.f32 v16, v11;
	[tilespmem:s2+$0x40] =	vst v54  }
0x161: {  	s19 =	sor.u32 $0x400, s12;
	v57 =	vmul.f32 v16, v10;
	[tilespmem:s2+$0x60] =	vst v55  }
0x162: {  	s20 =	sor.u32 $0x410, s12;
	v58 =	vmul.f32 v16, v9;
	[tilespmem:s19+$0x5880] =	vst v56  }
0x163: {  	s21 =	sor.u32 $0x420, s12;
	v59 =	vmul.f32 v16, v8;
	[tilespmem:s20+$0x5880] =	vst v57  }
0x164: {  	s22 =	sor.u32 $0x430, s12;
	v60 =	vmul.f32 v16, v12;
	[tilespmem:s21+$0x5880] =	vst v58  }
0x165: {  	s23 =	sor.u32 $0x440, s12;
	v61 =	vmul.f32 v16, v13;
	[tilespmem:s22+$0x5880] =	vst v59  }
0x166: {  	s24 =	sor.u32 $0x450, s12;
	v62 =	vmul.f32 v16, v14;
	[tilespmem:s23+$0x5880] =	vst v60  }
0x167: {  	s25 =	sor.u32 $0x460, s12;
	v63 =	vmul.f32 v16, v15;
	[tilespmem:s24+$0x5880] =	vst v61  }
0x168: {  	s26 =	sor.u32 $0x470, s12;
	s28 =	simm.s32 $0x800;
	[tilespmem:s25+$0x5880] =	vst v62  }
0x169: {  	s29 =	simm.s32 $0x8000;
	s30 =	simm.s32 $0x5880;
	s31 =	simm.s32 $0x3;
	[tilespmem:s26+$0x5880] =	vst v63  }
0x16a: {  	[hbm4b:s1+s28] =	stream.strided.scatter [tilespmem:s30], [sflag:$0x3], $0x4000, s29, s28, $0x38;
	[tilespmem:$0x9888] =	vst v63  }
0x16b: {  	_ =	swait.ge [sflag:s31], $0x4000  }
0x16c: {  	[sflag:s31] =	ssyncset.done $0x0  }
0x16d: {  	[sflag:s31] =	ssyncadd.s32 $0xFFFFC000  }
0x16e: {  	_ =	sfence.sel $0x180000  }
0x16f: {  	[bflag:$0x0] =	sbarrier.arrive $0xFFFF  }
0x170: {  	_ =	strace $0x90000047  }
0x171: {  	s0 =	sadd.s32 @!p0 $0x100000, s0;
	[bflag:$0x2] =	sbarrier.arrive $0xFFFF  }
0x172: {  	[sflag:s0] =	ssyncadd.tile.s32 @!p0 $0x1;
	_ =	shalt  }
.Lfunc_end2:
_tile_overlayer_lowered:
.L_overlay_start_2:
0x173: {  	(tag) =	ssettag $0x2  }
0x174: {  	s0 =	rddreg [dreg:$0x0];
	s2 =	stileid.u32  }
0x175: {  	s1 =	rddreg [dreg:$0x1];
	p0 =	sne.s32 s2, $0x0  }
0x176: {  	s3 =	rddreg [dreg:$0x2];
	[bflag:$0x3] =	sbarrier.arrive $0xFFFF;
	s2 =	simm.s32 @!p0 $0x1C03  }
0x177: {  	[timem:s3], [sflag:s2] =	dma.local @!p0 [hbm:s0], s1  }
0x178: {  	s0 =	simm.s32 @!p0 $0x3  }
0x179: {  	_ =	swait.ge @!p0 [sflag:s0], s1  }
0x17a: {  	s1 =	ssub.s32 @!p0 $0x0, s1;
	[sflag:s0] =	ssyncset.done @!p0 $0x0  }
0x17b: {  	[sflag:s0] =	ssyncadd.s32 @!p0 s1  }
0x17c: {  	[bflag:$0x3] =	sbarrier.arrive $0xFFFF  }
0x17d: {  	_ =	shalt  }

</sc_bundles>
